<compile_context>
chip_gen: v7x
topology: tpu7x:2x2x1
jax: 0.10.2.dev20260603
libtpu: 0.0.44.dev20260713+nightly
codegen_flags: <defaults>
</compile_context>

<pallas_src>
import functools

import jax
import jax.numpy as jnp
from jax import lax
from jax.experimental import pallas as pl
from jax.experimental.pallas import tpu as pltpu
from jax.experimental.pallas import tpu_sc as plsc

N = 10000
E = 320000
H = 8
OUT = 16
NC = 2
NS = 16
NW = NC * NS
LANES = 16
N_PAD = 10240
CHUNK = 128
NCHUNKS = E // CHUNK
BASE_CH = NCHUNKS // NW
EXTRA = NCHUNKS - BASE_CH * NW
MAX_CH = BASE_CH + 1


def _sc_degree_kernel():
    mesh = plsc.VectorSubcoreMesh(core_axis_name="c", subcore_axis_name="s")

    @functools.partial(
        pl.kernel,
        mesh=mesh,
        out_type=jax.ShapeDtypeStruct((NC, N_PAD), jnp.float32),
        scratch_types=[
            pltpu.VMEM((MAX_CH, 2, CHUNK), jnp.int32),
            pltpu.VMEM((CHUNK,), jnp.float32),
            pltpu.VMEM((N_PAD // NS,), jnp.float32),
            pltpu.VMEM_SHARED((N_PAD,), jnp.float32),
            pltpu.SemaphoreType.DMA,
            pltpu.SemaphoreType.DMA,
        ],
    )
    def sc_deg(ei_hbm, out_hbm, idx_v, ones_v, zero_v, deg_sh,
               sem_idx, sem_sc):
        c = lax.axis_index("c")
        s = lax.axis_index("s")
        w = c * NS + s
        nch = jnp.where(w < EXTRA, BASE_CH + 1, BASE_CH)
        base = w * BASE_CH + jnp.minimum(w, EXTRA)
        sl = N_PAD // NS

        def fire_load(j, carry):
            pltpu.async_copy(
                ei_hbm.at[:, pl.ds((base + j) * CHUNK, CHUNK)],
                idx_v.at[j], sem_idx)
            return carry

        lax.fori_loop(0, nch, fire_load, 0)

        for i in range(CHUNK // LANES):
            ones_v[pl.ds(i * LANES, LANES)] = jnp.full(
                (LANES,), 1.0, jnp.float32)
        for i in range(sl // LANES):
            zero_v[pl.ds(i * LANES, LANES)] = jnp.zeros((LANES,), jnp.float32)
        pltpu.sync_copy(zero_v, deg_sh.at[pl.ds(s * sl, sl)])

        plsc.subcore_barrier()

        def land_and_fire(j, carry):
            pltpu.make_async_copy(
                ei_hbm.at[:, pl.ds((base + j) * CHUNK, CHUNK)],
                idx_v.at[j], sem_idx).wait()
            pltpu.async_copy(ones_v, deg_sh.at[idx_v.at[j, 1]], sem_sc,
                             add=True)
            return carry

        lax.fori_loop(0, nch, land_and_fire, 0)

        def drain(j, carry):
            pltpu.make_async_copy(ones_v, deg_sh.at[idx_v.at[j, 1]],
                                  sem_sc).wait()
            return carry

        lax.fori_loop(0, nch, drain, 0)
        plsc.subcore_barrier()

        pltpu.sync_copy(deg_sh.at[pl.ds(s * sl, sl)],
                        out_hbm.at[c, pl.ds(s * sl, sl)])

    return sc_deg


def _mean_body(xt_ref, out_ref):
    row = lax.broadcasted_iota(jnp.int32, (OUT, H * OUT), 0)
    col = lax.broadcasted_iota(jnp.int32, (OUT, H * OUT), 1)
    s = jnp.where(col % OUT == row, 1.0 / H, 0.0)
    out_ref[...] = jnp.dot(s, xt_ref[...],
                           preferred_element_type=jnp.float32,
                           precision=lax.Precision.HIGHEST)


def _apply_body(acc_ref, deg_ref, biast_ref, out_ref):
    d = deg_ref[...]
    mask = (d[0:1, :N] + d[1:2, :N]) > 0.0
    bias_mean = jnp.mean(biast_ref[...], axis=1, keepdims=True)
    out_ref[...] = jnp.where(mask, acc_ref[...], 0.0) + bias_mean


def kernel(ft, e_ft, edge_index, W, bias):
    del e_ft, W
    n, h, out = ft.shape

    deg2 = _sc_degree_kernel()(edge_index)

    xt = jnp.transpose(ft, (1, 2, 0)).reshape(h * out, n)
    biast = jnp.swapaxes(bias.reshape(h, out), 0, 1)

    acc_t = pl.pallas_call(
        _mean_body,
        out_shape=jax.ShapeDtypeStruct((out, n), jnp.float32),
    )(xt)
    out_t = pl.pallas_call(
        _apply_body,
        out_shape=jax.ShapeDtypeStruct((out, n), jnp.float32),
    )(acc_t, deg2, biast)
    return jnp.swapaxes(out_t, 0, 1)

# --- scband reference (transcript-rebuilt; emitter-appended) ---
"""Pipeline reference for scband-ep-gat-pp-64493228917300 (READ-ONLY COPY).

The authoritative reference and input builder live on the scoring server;
editing this copy changes nothing except your own understanding.
"""

import jax, jax.numpy as jnp
import numpy as np

N = 10000
E = 320000
IN_FEATS = 128
H = 8
OUT = 16


def setup_inputs(seed: int = 0) -> dict:
    key = jax.random.key(seed)
    k1, k2, k3, k4 = jax.random.split(key, 4)
    ft = jax.random.normal(k1, (N, H, OUT), dtype=jnp.float32)
    e_ft = jax.random.normal(k2, (N, IN_FEATS), dtype=jnp.float32)
    edge_index = jax.random.randint(k3, (2, E), 0, N, dtype=jnp.int32)
    # fc weight: torch Linear(in_feats, out_feats*num_heads, bias=False), xavier_normal with relu gain
    gain = float(np.sqrt(2.0))
    std = gain * float(np.sqrt(2.0 / (IN_FEATS + H * OUT)))
    W = jax.random.normal(k4, (IN_FEATS, H * OUT), dtype=jnp.float32) * std
    bias = jnp.zeros((H * OUT,), dtype=jnp.float32)
    return {"ft": ft, "e_ft": e_ft, "edge_index": edge_index, "W": W, "bias": bias}


def reference(ft, e_ft, edge_index, W, bias):
    n, h, out = ft.shape
    src = edge_index[0]
    dst = edge_index[1]
    # el = er = fc(e_ft).view(N, H, OUT)
    el = jnp.dot(e_ft, W).reshape(n, h, out)
    # apply_edges(fn.u_dot_v('el','er','e')): e[edge] = <el[src], el[dst]> per head
    e = jnp.sum(el[src] * el[dst], axis=-1, keepdims=True)  # [E, H, 1]
    # leaky_relu(negative_slope=0.2)
    e = jnp.where(e > 0, e, 0.2 * e)
    # edge_softmax over incoming edges of each dst node
    emax = jax.ops.segment_max(e, dst, num_segments=n)
    emax = jnp.where(jnp.isfinite(emax), emax, 0.0)
    ee = jnp.exp(e - emax[dst])
    denom = jax.ops.segment_sum(ee, dst, num_segments=n)
    a = ee / denom[dst]  # [E, H, 1]
    # update_all(fn.v_mul_e('ft','a','m'), fn.sum('m','ft_tmp')): message uses dst's ft
    m = ft[dst] * a  # [E, H, OUT]
    rst = jax.ops.segment_sum(m, dst, num_segments=n)  # [N, H, OUT]
    rst = rst + bias.reshape(1, h, out)
    return rst.mean(axis=1)  # [N, OUT]

if __name__ == "__main__":
    import jax
    _d = setup_inputs()
    print(jax.jit(kernel)(*tuple(_d.values())))

</pallas_src>

<mosaic_0001>
#map = affine_map<(d0, d1) -> (0, 0)>
module attributes {stable_mosaic.version = 14 : i64} {
  func.func @sc_deg(%arg0: i32, %arg1: i32, %arg2: memref<2x320000xi32, #tpu.memory_space<hbm>>, %arg3: memref<2x10240xf32, #tpu.memory_space<hbm>>, %arg4: memref<79x2x128xi32, #tpu.memory_space<vmem>>, %arg5: memref<128xf32, #tpu.memory_space<vmem>>, %arg6: memref<640xf32, #tpu.memory_space<vmem>>, %arg7: memref<10240xf32, #tpu.memory_space<vmem_shared>>, %arg8: memref<!tpu.dma_semaphore, #tpu.memory_space<semaphore_mem>>, %arg9: memref<!tpu.dma_semaphore, #tpu.memory_space<semaphore_mem>>) attributes {dimension_semantics = [#tpu.dimension_semantics<core_parallel>, #tpu.dimension_semantics<subcore_parallel>], iteration_bounds = array<i64: 2, 16>, scalar_prefetch = 0 : i64, scratch_operands = 6 : i64, tpu.core_type = #tpu.core_type<sc_vector_subcore>, window_params = [{transform_indices = #map}, {transform_indices = #map}]} {
    %mul3A = arith.constant 16 : i32
    %mul3A_0 = arith.muli %arg0, %mul3A : i32
    %add3A = arith.addi %mul3A_0, %arg1 : i32
    %lt3A = arith.constant 4 : i32
    %lt3A_1 = arith.cmpi slt, %add3A, %lt3A : i32
    %jit3A = arith.constant 79 : i32
    %jit3A_2 = arith.constant 78 : i32
    %select_n3A = arith.select %lt3A_1, %jit3A, %jit3A_2 : i32
    %mul3A_3 = arith.constant 78 : i32
    %mul3A_4 = arith.muli %add3A, %mul3A_3 : i32
    %min3A = arith.constant 4 : i32
    %min3A_5 = arith.minsi %add3A, %min3A : i32
    %add3A_6 = arith.addi %mul3A_4, %min3A_5 : i32
    %while3A = arith.constant 0 : i32
    %while3A_7 = arith.constant 0 : i32
    %while3A_8 = arith.subi %select_n3A, %while3A_7 : i32
    %while3A_9 = arith.addi %while3A_7, %while3A_8 : i32
    %while3A_10 = arith.constant 1 : i32
    %while3A_11 = arith.divsi %while3A_8, %while3A_10 : i32
    %while3A_12 = arith.muli %while3A_11, %while3A_10 : i32
    %while3A_13 = arith.addi %while3A_7, %while3A_12 : i32
    %while3A_14 = arith.constant 1 : i32
    scf.for %while3A_329 = %while3A_7 to %while3A_13 step %while3A_14  : i32 {
      %add3A_330 = arith.addi %add3A_6, %while3A_329 : i32
      %mul3A_331 = arith.constant 128 : i32
      %mul3A_332 = arith.muli %add3A_330, %mul3A_331 : i32
      %dma_start3A = arith.constant 0 : i32
      %dma_start3A_333 = arith.constant 0 : i32
      %dma_start3A_334 = tpu.memref_slice %arg4[%while3A_329, %dma_start3A, %dma_start3A_333] : memref<79x2x128xi32, #tpu.memory_space<vmem>> -> memref<1x2x128xi32, #tpu.memory_space<vmem>>
      %dma_start3A_335 = tpu.memref_squeeze %dma_start3A_334 : memref<1x2x128xi32, #tpu.memory_space<vmem>> -> memref<2x128xi32, #tpu.memory_space<vmem>>
      %dma_start3A_336 = arith.constant 0 : i32
      %dma_start3A_337 = tpu.memref_slice %arg2[%dma_start3A_336, %mul3A_332] : memref<2x320000xi32, #tpu.memory_space<hbm>> -> memref<2x128xi32, #tpu.memory_space<hbm>>
      %dma_start3A_338 = arith.constant 0 : i32
      %dma_start3A_339 = arith.constant 0 : i32
      %dma_start3A_340 = tpu.memref_slice %arg4[%while3A_329, %dma_start3A_338, %dma_start3A_339] : memref<79x2x128xi32, #tpu.memory_space<vmem>> -> memref<1x2x128xi32, #tpu.memory_space<vmem>>
      %dma_start3A_341 = tpu.memref_squeeze %dma_start3A_340 : memref<1x2x128xi32, #tpu.memory_space<vmem>> -> memref<2x128xi32, #tpu.memory_space<vmem>>
      %dma_start3A_342 = arith.constant 0 : i32
      %dma_start3A_343 = tpu.memref_slice %arg2[%dma_start3A_342, %mul3A_332] : memref<2x320000xi32, #tpu.memory_space<hbm>> -> memref<2x128xi32, #tpu.memory_space<hbm>>
      tpu.enqueue_dma source(%dma_start3A_343 : memref<2x128xi32, #tpu.memory_space<hbm>>) target(%dma_start3A_341 : memref<2x128xi32, #tpu.memory_space<vmem>>) target_semaphore(%arg8 : memref<!tpu.dma_semaphore, #tpu.memory_space<semaphore_mem>>)
    }
    %while3A_15 = arith.constant 1 : i32
    scf.for %while3A_329 = %while3A_13 to %while3A_9 step %while3A_15  : i32 {
      %add3A_330 = arith.addi %add3A_6, %while3A_329 : i32
      %mul3A_331 = arith.constant 128 : i32
      %mul3A_332 = arith.muli %add3A_330, %mul3A_331 : i32
      %dma_start3A = arith.constant 0 : i32
      %dma_start3A_333 = arith.constant 0 : i32
      %dma_start3A_334 = tpu.memref_slice %arg4[%while3A_329, %dma_start3A, %dma_start3A_333] : memref<79x2x128xi32, #tpu.memory_space<vmem>> -> memref<1x2x128xi32, #tpu.memory_space<vmem>>
      %dma_start3A_335 = tpu.memref_squeeze %dma_start3A_334 : memref<1x2x128xi32, #tpu.memory_space<vmem>> -> memref<2x128xi32, #tpu.memory_space<vmem>>
      %dma_start3A_336 = arith.constant 0 : i32
      %dma_start3A_337 = tpu.memref_slice %arg2[%dma_start3A_336, %mul3A_332] : memref<2x320000xi32, #tpu.memory_space<hbm>> -> memref<2x128xi32, #tpu.memory_space<hbm>>
      %dma_start3A_338 = arith.constant 0 : i32
      %dma_start3A_339 = arith.constant 0 : i32
      %dma_start3A_340 = tpu.memref_slice %arg4[%while3A_329, %dma_start3A_338, %dma_start3A_339] : memref<79x2x128xi32, #tpu.memory_space<vmem>> -> memref<1x2x128xi32, #tpu.memory_space<vmem>>
      %dma_start3A_341 = tpu.memref_squeeze %dma_start3A_340 : memref<1x2x128xi32, #tpu.memory_space<vmem>> -> memref<2x128xi32, #tpu.memory_space<vmem>>
      %dma_start3A_342 = arith.constant 0 : i32
      %dma_start3A_343 = tpu.memref_slice %arg2[%dma_start3A_342, %mul3A_332] : memref<2x320000xi32, #tpu.memory_space<hbm>> -> memref<2x128xi32, #tpu.memory_space<hbm>>
      tpu.enqueue_dma source(%dma_start3A_343 : memref<2x128xi32, #tpu.memory_space<hbm>>) target(%dma_start3A_341 : memref<2x128xi32, #tpu.memory_space<vmem>>) target_semaphore(%arg8 : memref<!tpu.dma_semaphore, #tpu.memory_space<semaphore_mem>>)
    }
    %broadcast_in_dim3A = arith.constant 1.000000e+00 : f32
    %broadcast_in_dim3A_16 = vector.broadcast %broadcast_in_dim3A : f32 to vector<16xf32>
    %swap3A = arith.constant 0 : index
    %swap3A_17 = tpu.vector_load %arg5[%swap3A] {strides = array<i32>} : memref<128xf32, #tpu.memory_space<vmem>>, vector<16xf32>,
    %swap3A_18 = vector.shape_cast %swap3A_17 : vector<16xf32> to vector<16xf32>
    %swap3A_19 = vector.shape_cast %broadcast_in_dim3A_16 : vector<16xf32> to vector<16xf32>
    tpu.vector_store %arg5[%swap3A], %swap3A_19 {strides = array<i32>} : memref<128xf32, #tpu.memory_space<vmem>>, vector<16xf32>,
    %broadcast_in_dim3A_20 = arith.constant 1.000000e+00 : f32
    %broadcast_in_dim3A_21 = vector.broadcast %broadcast_in_dim3A_20 : f32 to vector<16xf32>
    %swap3A_22 = arith.constant 16 : index
    %swap3A_23 = tpu.vector_load %arg5[%swap3A_22] {strides = array<i32>} : memref<128xf32, #tpu.memory_space<vmem>>, vector<16xf32>,
    %swap3A_24 = vector.shape_cast %swap3A_23 : vector<16xf32> to vector<16xf32>
    %swap3A_25 = vector.shape_cast %broadcast_in_dim3A_21 : vector<16xf32> to vector<16xf32>
    tpu.vector_store %arg5[%swap3A_22], %swap3A_25 {strides = array<i32>} : memref<128xf32, #tpu.memory_space<vmem>>, vector<16xf32>,
    %broadcast_in_dim3A_26 = arith.constant 1.000000e+00 : f32
    %broadcast_in_dim3A_27 = vector.broadcast %broadcast_in_dim3A_26 : f32 to vector<16xf32>
    %swap3A_28 = arith.constant 32 : index
    %swap3A_29 = tpu.vector_load %arg5[%swap3A_28] {strides = array<i32>} : memref<128xf32, #tpu.memory_space<vmem>>, vector<16xf32>,
    %swap3A_30 = vector.shape_cast %swap3A_29 : vector<16xf32> to vector<16xf32>
    %swap3A_31 = vector.shape_cast %broadcast_in_dim3A_27 : vector<16xf32> to vector<16xf32>
    tpu.vector_store %arg5[%swap3A_28], %swap3A_31 {strides = array<i32>} : memref<128xf32, #tpu.memory_space<vmem>>, vector<16xf32>,
    %broadcast_in_dim3A_32 = arith.constant 1.000000e+00 : f32
    %broadcast_in_dim3A_33 = vector.broadcast %broadcast_in_dim3A_32 : f32 to vector<16xf32>
    %swap3A_34 = arith.constant 48 : index
    %swap3A_35 = tpu.vector_load %arg5[%swap3A_34] {strides = array<i32>} : memref<128xf32, #tpu.memory_space<vmem>>, vector<16xf32>,
    %swap3A_36 = vector.shape_cast %swap3A_35 : vector<16xf32> to vector<16xf32>
    %swap3A_37 = vector.shape_cast %broadcast_in_dim3A_33 : vector<16xf32> to vector<16xf32>
    tpu.vector_store %arg5[%swap3A_34], %swap3A_37 {strides = array<i32>} : memref<128xf32, #tpu.memory_space<vmem>>, vector<16xf32>,
    %broadcast_in_dim3A_38 = arith.constant 1.000000e+00 : f32
    %broadcast_in_dim3A_39 = vector.broadcast %broadcast_in_dim3A_38 : f32 to vector<16xf32>
    %swap3A_40 = arith.constant 64 : index
    %swap3A_41 = tpu.vector_load %arg5[%swap3A_40] {strides = array<i32>} : memref<128xf32, #tpu.memory_space<vmem>>, vector<16xf32>,
    %swap3A_42 = vector.shape_cast %swap3A_41 : vector<16xf32> to vector<16xf32>
    %swap3A_43 = vector.shape_cast %broadcast_in_dim3A_39 : vector<16xf32> to vector<16xf32>
    tpu.vector_store %arg5[%swap3A_40], %swap3A_43 {strides = array<i32>} : memref<128xf32, #tpu.memory_space<vmem>>, vector<16xf32>,
    %broadcast_in_dim3A_44 = arith.constant 1.000000e+00 : f32
    %broadcast_in_dim3A_45 = vector.broadcast %broadcast_in_dim3A_44 : f32 to vector<16xf32>
    %swap3A_46 = arith.constant 80 : index
    %swap3A_47 = tpu.vector_load %arg5[%swap3A_46] {strides = array<i32>} : memref<128xf32, #tpu.memory_space<vmem>>, vector<16xf32>,
    %swap3A_48 = vector.shape_cast %swap3A_47 : vector<16xf32> to vector<16xf32>
    %swap3A_49 = vector.shape_cast %broadcast_in_dim3A_45 : vector<16xf32> to vector<16xf32>
    tpu.vector_store %arg5[%swap3A_46], %swap3A_49 {strides = array<i32>} : memref<128xf32, #tpu.memory_space<vmem>>, vector<16xf32>,
    %broadcast_in_dim3A_50 = arith.constant 1.000000e+00 : f32
    %broadcast_in_dim3A_51 = vector.broadcast %broadcast_in_dim3A_50 : f32 to vector<16xf32>
    %swap3A_52 = arith.constant 96 : index
    %swap3A_53 = tpu.vector_load %arg5[%swap3A_52] {strides = array<i32>} : memref<128xf32, #tpu.memory_space<vmem>>, vector<16xf32>,
    %swap3A_54 = vector.shape_cast %swap3A_53 : vector<16xf32> to vector<16xf32>
    %swap3A_55 = vector.shape_cast %broadcast_in_dim3A_51 : vector<16xf32> to vector<16xf32>
    tpu.vector_store %arg5[%swap3A_52], %swap3A_55 {strides = array<i32>} : memref<128xf32, #tpu.memory_space<vmem>>, vector<16xf32>,
    %broadcast_in_dim3A_56 = arith.constant 1.000000e+00 : f32
    %broadcast_in_dim3A_57 = vector.broadcast %broadcast_in_dim3A_56 : f32 to vector<16xf32>
    %swap3A_58 = arith.constant 112 : index
    %swap3A_59 = tpu.vector_load %arg5[%swap3A_58] {strides = array<i32>} : memref<128xf32, #tpu.memory_space<vmem>>, vector<16xf32>,
    %swap3A_60 = vector.shape_cast %swap3A_59 : vector<16xf32> to vector<16xf32>
    %swap3A_61 = vector.shape_cast %broadcast_in_dim3A_57 : vector<16xf32> to vector<16xf32>
    tpu.vector_store %arg5[%swap3A_58], %swap3A_61 {strides = array<i32>} : memref<128xf32, #tpu.memory_space<vmem>>, vector<16xf32>,
    %broadcast_in_dim3A_62 = arith.constant 0.000000e+00 : f32
    %broadcast_in_dim3A_63 = vector.broadcast %broadcast_in_dim3A_62 : f32 to vector<16xf32>
    %swap3A_64 = arith.constant 0 : index
    %swap3A_65 = tpu.vector_load %arg6[%swap3A_64] {strides = array<i32>} : memref<640xf32, #tpu.memory_space<vmem>>, vector<16xf32>,
    %swap3A_66 = vector.shape_cast %swap3A_65 : vector<16xf32> to vector<16xf32>
    %swap3A_67 = vector.shape_cast %broadcast_in_dim3A_63 : vector<16xf32> to vector<16xf32>
    tpu.vector_store %arg6[%swap3A_64], %swap3A_67 {strides = array<i32>} : memref<640xf32, #tpu.memory_space<vmem>>, vector<16xf32>,
    %broadcast_in_dim3A_68 = arith.constant 0.000000e+00 : f32
    %broadcast_in_dim3A_69 = vector.broadcast %broadcast_in_dim3A_68 : f32 to vector<16xf32>
    %swap3A_70 = arith.constant 16 : index
    %swap3A_71 = tpu.vector_load %arg6[%swap3A_70] {strides = array<i32>} : memref<640xf32, #tpu.memory_space<vmem>>, vector<16xf32>,
    %swap3A_72 = vector.shape_cast %swap3A_71 : vector<16xf32> to vector<16xf32>
    %swap3A_73 = vector.shape_cast %broadcast_in_dim3A_69 : vector<16xf32> to vector<16xf32>
    tpu.vector_store %arg6[%swap3A_70], %swap3A_73 {strides = array<i32>} : memref<640xf32, #tpu.memory_space<vmem>>, vector<16xf32>,
    %broadcast_in_dim3A_74 = arith.constant 0.000000e+00 : f32
    %broadcast_in_dim3A_75 = vector.broadcast %broadcast_in_dim3A_74 : f32 to vector<16xf32>
    %swap3A_76 = arith.constant 32 : index
    %swap3A_77 = tpu.vector_load %arg6[%swap3A_76] {strides = array<i32>} : memref<640xf32, #tpu.memory_space<vmem>>, vector<16xf32>,
    %swap3A_78 = vector.shape_cast %swap3A_77 : vector<16xf32> to vector<16xf32>
    %swap3A_79 = vector.shape_cast %broadcast_in_dim3A_75 : vector<16xf32> to vector<16xf32>
    tpu.vector_store %arg6[%swap3A_76], %swap3A_79 {strides = array<i32>} : memref<640xf32, #tpu.memory_space<vmem>>, vector<16xf32>,
    %broadcast_in_dim3A_80 = arith.constant 0.000000e+00 : f32
    %broadcast_in_dim3A_81 = vector.broadcast %broadcast_in_dim3A_80 : f32 to vector<16xf32>
    %swap3A_82 = arith.constant 48 : index
    %swap3A_83 = tpu.vector_load %arg6[%swap3A_82] {strides = array<i32>} : memref<640xf32, #tpu.memory_space<vmem>>, vector<16xf32>,
    %swap3A_84 = vector.shape_cast %swap3A_83 : vector<16xf32> to vector<16xf32>
    %swap3A_85 = vector.shape_cast %broadcast_in_dim3A_81 : vector<16xf32> to vector<16xf32>
    tpu.vector_store %arg6[%swap3A_82], %swap3A_85 {strides = array<i32>} : memref<640xf32, #tpu.memory_space<vmem>>, vector<16xf32>,
    %broadcast_in_dim3A_86 = arith.constant 0.000000e+00 : f32
    %broadcast_in_dim3A_87 = vector.broadcast %broadcast_in_dim3A_86 : f32 to vector<16xf32>
    %swap3A_88 = arith.constant 64 : index
    %swap3A_89 = tpu.vector_load %arg6[%swap3A_88] {strides = array<i32>} : memref<640xf32, #tpu.memory_space<vmem>>, vector<16xf32>,
    %swap3A_90 = vector.shape_cast %swap3A_89 : vector<16xf32> to vector<16xf32>
    %swap3A_91 = vector.shape_cast %broadcast_in_dim3A_87 : vector<16xf32> to vector<16xf32>
    tpu.vector_store %arg6[%swap3A_88], %swap3A_91 {strides = array<i32>} : memref<640xf32, #tpu.memory_space<vmem>>, vector<16xf32>,
    %broadcast_in_dim3A_92 = arith.constant 0.000000e+00 : f32
    %broadcast_in_dim3A_93 = vector.broadcast %broadcast_in_dim3A_92 : f32 to vector<16xf32>
    %swap3A_94 = arith.constant 80 : index
    %swap3A_95 = tpu.vector_load %arg6[%swap3A_94] {strides = array<i32>} : memref<640xf32, #tpu.memory_space<vmem>>, vector<16xf32>,
    %swap3A_96 = vector.shape_cast %swap3A_95 : vector<16xf32> to vector<16xf32>
    %swap3A_97 = vector.shape_cast %broadcast_in_dim3A_93 : vector<16xf32> to vector<16xf32>
    tpu.vector_store %arg6[%swap3A_94], %swap3A_97 {strides = array<i32>} : memref<640xf32, #tpu.memory_space<vmem>>, vector<16xf32>,
    %broadcast_in_dim3A_98 = arith.constant 0.000000e+00 : f32
    %broadcast_in_dim3A_99 = vector.broadcast %broadcast_in_dim3A_98 : f32 to vector<16xf32>
    %swap3A_100 = arith.constant 96 : index
    %swap3A_101 = tpu.vector_load %arg6[%swap3A_100] {strides = array<i32>} : memref<640xf32, #tpu.memory_space<vmem>>, vector<16xf32>,
    %swap3A_102 = vector.shape_cast %swap3A_101 : vector<16xf32> to vector<16xf32>
    %swap3A_103 = vector.shape_cast %broadcast_in_dim3A_99 : vector<16xf32> to vector<16xf32>
    tpu.vector_store %arg6[%swap3A_100], %swap3A_103 {strides = array<i32>} : memref<640xf32, #tpu.memory_space<vmem>>, vector<16xf32>,
    %broadcast_in_dim3A_104 = arith.constant 0.000000e+00 : f32
    %broadcast_in_dim3A_105 = vector.broadcast %broadcast_in_dim3A_104 : f32 to vector<16xf32>
    %swap3A_106 = arith.constant 112 : index
    %swap3A_107 = tpu.vector_load %arg6[%swap3A_106] {strides = array<i32>} : memref<640xf32, #tpu.memory_space<vmem>>, vector<16xf32>,
    %swap3A_108 = vector.shape_cast %swap3A_107 : vector<16xf32> to vector<16xf32>
    %swap3A_109 = vector.shape_cast %broadcast_in_dim3A_105 : vector<16xf32> to vector<16xf32>
    tpu.vector_store %arg6[%swap3A_106], %swap3A_109 {strides = array<i32>} : memref<640xf32, #tpu.memory_space<vmem>>, vector<16xf32>,
    %broadcast_in_dim3A_110 = arith.constant 0.000000e+00 : f32
    %broadcast_in_dim3A_111 = vector.broadcast %broadcast_in_dim3A_110 : f32 to vector<16xf32>
    %swap3A_112 = arith.constant 128 : index
    %swap3A_113 = tpu.vector_load %arg6[%swap3A_112] {strides = array<i32>} : memref<640xf32, #tpu.memory_space<vmem>>, vector<16xf32>,
    %swap3A_114 = vector.shape_cast %swap3A_113 : vector<16xf32> to vector<16xf32>
    %swap3A_115 = vector.shape_cast %broadcast_in_dim3A_111 : vector<16xf32> to vector<16xf32>
    tpu.vector_store %arg6[%swap3A_112], %swap3A_115 {strides = array<i32>} : memref<640xf32, #tpu.memory_space<vmem>>, vector<16xf32>,
    %broadcast_in_dim3A_116 = arith.constant 0.000000e+00 : f32
    %broadcast_in_dim3A_117 = vector.broadcast %broadcast_in_dim3A_116 : f32 to vector<16xf32>
    %swap3A_118 = arith.constant 144 : index
    %swap3A_119 = tpu.vector_load %arg6[%swap3A_118] {strides = array<i32>} : memref<640xf32, #tpu.memory_space<vmem>>, vector<16xf32>,
    %swap3A_120 = vector.shape_cast %swap3A_119 : vector<16xf32> to vector<16xf32>
    %swap3A_121 = vector.shape_cast %broadcast_in_dim3A_117 : vector<16xf32> to vector<16xf32>
    tpu.vector_store %arg6[%swap3A_118], %swap3A_121 {strides = array<i32>} : memref<640xf32, #tpu.memory_space<vmem>>, vector<16xf32>,
    %broadcast_in_dim3A_122 = arith.constant 0.000000e+00 : f32
    %broadcast_in_dim3A_123 = vector.broadcast %broadcast_in_dim3A_122 : f32 to vector<16xf32>
    %swap3A_124 = arith.constant 160 : index
    %swap3A_125 = tpu.vector_load %arg6[%swap3A_124] {strides = array<i32>} : memref<640xf32, #tpu.memory_space<vmem>>, vector<16xf32>,
    %swap3A_126 = vector.shape_cast %swap3A_125 : vector<16xf32> to vector<16xf32>
    %swap3A_127 = vector.shape_cast %broadcast_in_dim3A_123 : vector<16xf32> to vector<16xf32>
    tpu.vector_store %arg6[%swap3A_124], %swap3A_127 {strides = array<i32>} : memref<640xf32, #tpu.memory_space<vmem>>, vector<16xf32>,
    %broadcast_in_dim3A_128 = arith.constant 0.000000e+00 : f32
    %broadcast_in_dim3A_129 = vector.broadcast %broadcast_in_dim3A_128 : f32 to vector<16xf32>
    %swap3A_130 = arith.constant 176 : index
    %swap3A_131 = tpu.vector_load %arg6[%swap3A_130] {strides = array<i32>} : memref<640xf32, #tpu.memory_space<vmem>>, vector<16xf32>,
    %swap3A_132 = vector.shape_cast %swap3A_131 : vector<16xf32> to vector<16xf32>
    %swap3A_133 = vector.shape_cast %broadcast_in_dim3A_129 : vector<16xf32> to vector<16xf32>
    tpu.vector_store %arg6[%swap3A_130], %swap3A_133 {strides = array<i32>} : memref<640xf32, #tpu.memory_space<vmem>>, vector<16xf32>,
    %broadcast_in_dim3A_134 = arith.constant 0.000000e+00 : f32
    %broadcast_in_dim3A_135 = vector.broadcast %broadcast_in_dim3A_134 : f32 to vector<16xf32>
    %swap3A_136 = arith.constant 192 : index
    %swap3A_137 = tpu.vector_load %arg6[%swap3A_136] {strides = array<i32>} : memref<640xf32, #tpu.memory_space<vmem>>, vector<16xf32>,
    %swap3A_138 = vector.shape_cast %swap3A_137 : vector<16xf32> to vector<16xf32>
    %swap3A_139 = vector.shape_cast %broadcast_in_dim3A_135 : vector<16xf32> to vector<16xf32>
    tpu.vector_store %arg6[%swap3A_136], %swap3A_139 {strides = array<i32>} : memref<640xf32, #tpu.memory_space<vmem>>, vector<16xf32>,
    %broadcast_in_dim3A_140 = arith.constant 0.000000e+00 : f32
    %broadcast_in_dim3A_141 = vector.broadcast %broadcast_in_dim3A_140 : f32 to vector<16xf32>
    %swap3A_142 = arith.constant 208 : index
    %swap3A_143 = tpu.vector_load %arg6[%swap3A_142] {strides = array<i32>} : memref<640xf32, #tpu.memory_space<vmem>>, vector<16xf32>,
    %swap3A_144 = vector.shape_cast %swap3A_143 : vector<16xf32> to vector<16xf32>
    %swap3A_145 = vector.shape_cast %broadcast_in_dim3A_141 : vector<16xf32> to vector<16xf32>
    tpu.vector_store %arg6[%swap3A_142], %swap3A_145 {strides = array<i32>} : memref<640xf32, #tpu.memory_space<vmem>>, vector<16xf32>,
    %broadcast_in_dim3A_146 = arith.constant 0.000000e+00 : f32
    %broadcast_in_dim3A_147 = vector.broadcast %broadcast_in_dim3A_146 : f32 to vector<16xf32>
    %swap3A_148 = arith.constant 224 : index
    %swap3A_149 = tpu.vector_load %arg6[%swap3A_148] {strides = array<i32>} : memref<640xf32, #tpu.memory_space<vmem>>, vector<16xf32>,
    %swap3A_150 = vector.shape_cast %swap3A_149 : vector<16xf32> to vector<16xf32>
    %swap3A_151 = vector.shape_cast %broadcast_in_dim3A_147 : vector<16xf32> to vector<16xf32>
    tpu.vector_store %arg6[%swap3A_148], %swap3A_151 {strides = array<i32>} : memref<640xf32, #tpu.memory_space<vmem>>, vector<16xf32>,
    %broadcast_in_dim3A_152 = arith.constant 0.000000e+00 : f32
    %broadcast_in_dim3A_153 = vector.broadcast %broadcast_in_dim3A_152 : f32 to vector<16xf32>
    %swap3A_154 = arith.constant 240 : index
    %swap3A_155 = tpu.vector_load %arg6[%swap3A_154] {strides = array<i32>} : memref<640xf32, #tpu.memory_space<vmem>>, vector<16xf32>,
    %swap3A_156 = vector.shape_cast %swap3A_155 : vector<16xf32> to vector<16xf32>
    %swap3A_157 = vector.shape_cast %broadcast_in_dim3A_153 : vector<16xf32> to vector<16xf32>
    tpu.vector_store %arg6[%swap3A_154], %swap3A_157 {strides = array<i32>} : memref<640xf32, #tpu.memory_space<vmem>>, vector<16xf32>,
    %broadcast_in_dim3A_158 = arith.constant 0.000000e+00 : f32
    %broadcast_in_dim3A_159 = vector.broadcast %broadcast_in_dim3A_158 : f32 to vector<16xf32>
    %swap3A_160 = arith.constant 256 : index
    %swap3A_161 = tpu.vector_load %arg6[%swap3A_160] {strides = array<i32>} : memref<640xf32, #tpu.memory_space<vmem>>, vector<16xf32>,
    %swap3A_162 = vector.shape_cast %swap3A_161 : vector<16xf32> to vector<16xf32>
    %swap3A_163 = vector.shape_cast %broadcast_in_dim3A_159 : vector<16xf32> to vector<16xf32>
    tpu.vector_store %arg6[%swap3A_160], %swap3A_163 {strides = array<i32>} : memref<640xf32, #tpu.memory_space<vmem>>, vector<16xf32>,
    %broadcast_in_dim3A_164 = arith.constant 0.000000e+00 : f32
    %broadcast_in_dim3A_165 = vector.broadcast %broadcast_in_dim3A_164 : f32 to vector<16xf32>
    %swap3A_166 = arith.constant 272 : index
    %swap3A_167 = tpu.vector_load %arg6[%swap3A_166] {strides = array<i32>} : memref<640xf32, #tpu.memory_space<vmem>>, vector<16xf32>,
    %swap3A_168 = vector.shape_cast %swap3A_167 : vector<16xf32> to vector<16xf32>
    %swap3A_169 = vector.shape_cast %broadcast_in_dim3A_165 : vector<16xf32> to vector<16xf32>
    tpu.vector_store %arg6[%swap3A_166], %swap3A_169 {strides = array<i32>} : memref<640xf32, #tpu.memory_space<vmem>>, vector<16xf32>,
    %broadcast_in_dim3A_170 = arith.constant 0.000000e+00 : f32
    %broadcast_in_dim3A_171 = vector.broadcast %broadcast_in_dim3A_170 : f32 to vector<16xf32>
    %swap3A_172 = arith.constant 288 : index
    %swap3A_173 = tpu.vector_load %arg6[%swap3A_172] {strides = array<i32>} : memref<640xf32, #tpu.memory_space<vmem>>, vector<16xf32>,
    %swap3A_174 = vector.shape_cast %swap3A_173 : vector<16xf32> to vector<16xf32>
    %swap3A_175 = vector.shape_cast %broadcast_in_dim3A_171 : vector<16xf32> to vector<16xf32>
    tpu.vector_store %arg6[%swap3A_172], %swap3A_175 {strides = array<i32>} : memref<640xf32, #tpu.memory_space<vmem>>, vector<16xf32>,
    %broadcast_in_dim3A_176 = arith.constant 0.000000e+00 : f32
    %broadcast_in_dim3A_177 = vector.broadcast %broadcast_in_dim3A_176 : f32 to vector<16xf32>
    %swap3A_178 = arith.constant 304 : index
    %swap3A_179 = tpu.vector_load %arg6[%swap3A_178] {strides = array<i32>} : memref<640xf32, #tpu.memory_space<vmem>>, vector<16xf32>,
    %swap3A_180 = vector.shape_cast %swap3A_179 : vector<16xf32> to vector<16xf32>
    %swap3A_181 = vector.shape_cast %broadcast_in_dim3A_177 : vector<16xf32> to vector<16xf32>
    tpu.vector_store %arg6[%swap3A_178], %swap3A_181 {strides = array<i32>} : memref<640xf32, #tpu.memory_space<vmem>>, vector<16xf32>,
    %broadcast_in_dim3A_182 = arith.constant 0.000000e+00 : f32
    %broadcast_in_dim3A_183 = vector.broadcast %broadcast_in_dim3A_182 : f32 to vector<16xf32>
    %swap3A_184 = arith.constant 320 : index
    %swap3A_185 = tpu.vector_load %arg6[%swap3A_184] {strides = array<i32>} : memref<640xf32, #tpu.memory_space<vmem>>, vector<16xf32>,
    %swap3A_186 = vector.shape_cast %swap3A_185 : vector<16xf32> to vector<16xf32>
    %swap3A_187 = vector.shape_cast %broadcast_in_dim3A_183 : vector<16xf32> to vector<16xf32>
    tpu.vector_store %arg6[%swap3A_184], %swap3A_187 {strides = array<i32>} : memref<640xf32, #tpu.memory_space<vmem>>, vector<16xf32>,
    %broadcast_in_dim3A_188 = arith.constant 0.000000e+00 : f32
    %broadcast_in_dim3A_189 = vector.broadcast %broadcast_in_dim3A_188 : f32 to vector<16xf32>
    %swap3A_190 = arith.constant 336 : index
    %swap3A_191 = tpu.vector_load %arg6[%swap3A_190] {strides = array<i32>} : memref<640xf32, #tpu.memory_space<vmem>>, vector<16xf32>,
    %swap3A_192 = vector.shape_cast %swap3A_191 : vector<16xf32> to vector<16xf32>
    %swap3A_193 = vector.shape_cast %broadcast_in_dim3A_189 : vector<16xf32> to vector<16xf32>
    tpu.vector_store %arg6[%swap3A_190], %swap3A_193 {strides = array<i32>} : memref<640xf32, #tpu.memory_space<vmem>>, vector<16xf32>,
    %broadcast_in_dim3A_194 = arith.constant 0.000000e+00 : f32
    %broadcast_in_dim3A_195 = vector.broadcast %broadcast_in_dim3A_194 : f32 to vector<16xf32>
    %swap3A_196 = arith.constant 352 : index
    %swap3A_197 = tpu.vector_load %arg6[%swap3A_196] {strides = array<i32>} : memref<640xf32, #tpu.memory_space<vmem>>, vector<16xf32>,
    %swap3A_198 = vector.shape_cast %swap3A_197 : vector<16xf32> to vector<16xf32>
    %swap3A_199 = vector.shape_cast %broadcast_in_dim3A_195 : vector<16xf32> to vector<16xf32>
    tpu.vector_store %arg6[%swap3A_196], %swap3A_199 {strides = array<i32>} : memref<640xf32, #tpu.memory_space<vmem>>, vector<16xf32>,
    %broadcast_in_dim3A_200 = arith.constant 0.000000e+00 : f32
    %broadcast_in_dim3A_201 = vector.broadcast %broadcast_in_dim3A_200 : f32 to vector<16xf32>
    %swap3A_202 = arith.constant 368 : index
    %swap3A_203 = tpu.vector_load %arg6[%swap3A_202] {strides = array<i32>} : memref<640xf32, #tpu.memory_space<vmem>>, vector<16xf32>,
    %swap3A_204 = vector.shape_cast %swap3A_203 : vector<16xf32> to vector<16xf32>
    %swap3A_205 = vector.shape_cast %broadcast_in_dim3A_201 : vector<16xf32> to vector<16xf32>
    tpu.vector_store %arg6[%swap3A_202], %swap3A_205 {strides = array<i32>} : memref<640xf32, #tpu.memory_space<vmem>>, vector<16xf32>,
    %broadcast_in_dim3A_206 = arith.constant 0.000000e+00 : f32
    %broadcast_in_dim3A_207 = vector.broadcast %broadcast_in_dim3A_206 : f32 to vector<16xf32>
    %swap3A_208 = arith.constant 384 : index
    %swap3A_209 = tpu.vector_load %arg6[%swap3A_208] {strides = array<i32>} : memref<640xf32, #tpu.memory_space<vmem>>, vector<16xf32>,
    %swap3A_210 = vector.shape_cast %swap3A_209 : vector<16xf32> to vector<16xf32>
    %swap3A_211 = vector.shape_cast %broadcast_in_dim3A_207 : vector<16xf32> to vector<16xf32>
    tpu.vector_store %arg6[%swap3A_208], %swap3A_211 {strides = array<i32>} : memref<640xf32, #tpu.memory_space<vmem>>, vector<16xf32>,
    %broadcast_in_dim3A_212 = arith.constant 0.000000e+00 : f32
    %broadcast_in_dim3A_213 = vector.broadcast %broadcast_in_dim3A_212 : f32 to vector<16xf32>
    %swap3A_214 = arith.constant 400 : index
    %swap3A_215 = tpu.vector_load %arg6[%swap3A_214] {strides = array<i32>} : memref<640xf32, #tpu.memory_space<vmem>>, vector<16xf32>,
    %swap3A_216 = vector.shape_cast %swap3A_215 : vector<16xf32> to vector<16xf32>
    %swap3A_217 = vector.shape_cast %broadcast_in_dim3A_213 : vector<16xf32> to vector<16xf32>
    tpu.vector_store %arg6[%swap3A_214], %swap3A_217 {strides = array<i32>} : memref<640xf32, #tpu.memory_space<vmem>>, vector<16xf32>,
    %broadcast_in_dim3A_218 = arith.constant 0.000000e+00 : f32
    %broadcast_in_dim3A_219 = vector.broadcast %broadcast_in_dim3A_218 : f32 to vector<16xf32>
    %swap3A_220 = arith.constant 416 : index
    %swap3A_221 = tpu.vector_load %arg6[%swap3A_220] {strides = array<i32>} : memref<640xf32, #tpu.memory_space<vmem>>, vector<16xf32>,
    %swap3A_222 = vector.shape_cast %swap3A_221 : vector<16xf32> to vector<16xf32>
    %swap3A_223 = vector.shape_cast %broadcast_in_dim3A_219 : vector<16xf32> to vector<16xf32>
    tpu.vector_store %arg6[%swap3A_220], %swap3A_223 {strides = array<i32>} : memref<640xf32, #tpu.memory_space<vmem>>, vector<16xf32>,
    %broadcast_in_dim3A_224 = arith.constant 0.000000e+00 : f32
    %broadcast_in_dim3A_225 = vector.broadcast %broadcast_in_dim3A_224 : f32 to vector<16xf32>
    %swap3A_226 = arith.constant 432 : index
    %swap3A_227 = tpu.vector_load %arg6[%swap3A_226] {strides = array<i32>} : memref<640xf32, #tpu.memory_space<vmem>>, vector<16xf32>,
    %swap3A_228 = vector.shape_cast %swap3A_227 : vector<16xf32> to vector<16xf32>
    %swap3A_229 = vector.shape_cast %broadcast_in_dim3A_225 : vector<16xf32> to vector<16xf32>
    tpu.vector_store %arg6[%swap3A_226], %swap3A_229 {strides = array<i32>} : memref<640xf32, #tpu.memory_space<vmem>>, vector<16xf32>,
    %broadcast_in_dim3A_230 = arith.constant 0.000000e+00 : f32
    %broadcast_in_dim3A_231 = vector.broadcast %broadcast_in_dim3A_230 : f32 to vector<16xf32>
    %swap3A_232 = arith.constant 448 : index
    %swap3A_233 = tpu.vector_load %arg6[%swap3A_232] {strides = array<i32>} : memref<640xf32, #tpu.memory_space<vmem>>, vector<16xf32>,
    %swap3A_234 = vector.shape_cast %swap3A_233 : vector<16xf32> to vector<16xf32>
    %swap3A_235 = vector.shape_cast %broadcast_in_dim3A_231 : vector<16xf32> to vector<16xf32>
    tpu.vector_store %arg6[%swap3A_232], %swap3A_235 {strides = array<i32>} : memref<640xf32, #tpu.memory_space<vmem>>, vector<16xf32>,
    %broadcast_in_dim3A_236 = arith.constant 0.000000e+00 : f32
    %broadcast_in_dim3A_237 = vector.broadcast %broadcast_in_dim3A_236 : f32 to vector<16xf32>
    %swap3A_238 = arith.constant 464 : index
    %swap3A_239 = tpu.vector_load %arg6[%swap3A_238] {strides = array<i32>} : memref<640xf32, #tpu.memory_space<vmem>>, vector<16xf32>,
    %swap3A_240 = vector.shape_cast %swap3A_239 : vector<16xf32> to vector<16xf32>
    %swap3A_241 = vector.shape_cast %broadcast_in_dim3A_237 : vector<16xf32> to vector<16xf32>
    tpu.vector_store %arg6[%swap3A_238], %swap3A_241 {strides = array<i32>} : memref<640xf32, #tpu.memory_space<vmem>>, vector<16xf32>,
    %broadcast_in_dim3A_242 = arith.constant 0.000000e+00 : f32
    %broadcast_in_dim3A_243 = vector.broadcast %broadcast_in_dim3A_242 : f32 to vector<16xf32>
    %swap3A_244 = arith.constant 480 : index
    %swap3A_245 = tpu.vector_load %arg6[%swap3A_244] {strides = array<i32>} : memref<640xf32, #tpu.memory_space<vmem>>, vector<16xf32>,
    %swap3A_246 = vector.shape_cast %swap3A_245 : vector<16xf32> to vector<16xf32>
    %swap3A_247 = vector.shape_cast %broadcast_in_dim3A_243 : vector<16xf32> to vector<16xf32>
    tpu.vector_store %arg6[%swap3A_244], %swap3A_247 {strides = array<i32>} : memref<640xf32, #tpu.memory_space<vmem>>, vector<16xf32>,
    %broadcast_in_dim3A_248 = arith.constant 0.000000e+00 : f32
    %broadcast_in_dim3A_249 = vector.broadcast %broadcast_in_dim3A_248 : f32 to vector<16xf32>
    %swap3A_250 = arith.constant 496 : index
    %swap3A_251 = tpu.vector_load %arg6[%swap3A_250] {strides = array<i32>} : memref<640xf32, #tpu.memory_space<vmem>>, vector<16xf32>,
    %swap3A_252 = vector.shape_cast %swap3A_251 : vector<16xf32> to vector<16xf32>
    %swap3A_253 = vector.shape_cast %broadcast_in_dim3A_249 : vector<16xf32> to vector<16xf32>
    tpu.vector_store %arg6[%swap3A_250], %swap3A_253 {strides = array<i32>} : memref<640xf32, #tpu.memory_space<vmem>>, vector<16xf32>,
    %broadcast_in_dim3A_254 = arith.constant 0.000000e+00 : f32
    %broadcast_in_dim3A_255 = vector.broadcast %broadcast_in_dim3A_254 : f32 to vector<16xf32>
    %swap3A_256 = arith.constant 512 : index
    %swap3A_257 = tpu.vector_load %arg6[%swap3A_256] {strides = array<i32>} : memref<640xf32, #tpu.memory_space<vmem>>, vector<16xf32>,
    %swap3A_258 = vector.shape_cast %swap3A_257 : vector<16xf32> to vector<16xf32>
    %swap3A_259 = vector.shape_cast %broadcast_in_dim3A_255 : vector<16xf32> to vector<16xf32>
    tpu.vector_store %arg6[%swap3A_256], %swap3A_259 {strides = array<i32>} : memref<640xf32, #tpu.memory_space<vmem>>, vector<16xf32>,
    %broadcast_in_dim3A_260 = arith.constant 0.000000e+00 : f32
    %broadcast_in_dim3A_261 = vector.broadcast %broadcast_in_dim3A_260 : f32 to vector<16xf32>
    %swap3A_262 = arith.constant 528 : index
    %swap3A_263 = tpu.vector_load %arg6[%swap3A_262] {strides = array<i32>} : memref<640xf32, #tpu.memory_space<vmem>>, vector<16xf32>,
    %swap3A_264 = vector.shape_cast %swap3A_263 : vector<16xf32> to vector<16xf32>
    %swap3A_265 = vector.shape_cast %broadcast_in_dim3A_261 : vector<16xf32> to vector<16xf32>
    tpu.vector_store %arg6[%swap3A_262], %swap3A_265 {strides = array<i32>} : memref<640xf32, #tpu.memory_space<vmem>>, vector<16xf32>,
    %broadcast_in_dim3A_266 = arith.constant 0.000000e+00 : f32
    %broadcast_in_dim3A_267 = vector.broadcast %broadcast_in_dim3A_266 : f32 to vector<16xf32>
    %swap3A_268 = arith.constant 544 : index
    %swap3A_269 = tpu.vector_load %arg6[%swap3A_268] {strides = array<i32>} : memref<640xf32, #tpu.memory_space<vmem>>, vector<16xf32>,
    %swap3A_270 = vector.shape_cast %swap3A_269 : vector<16xf32> to vector<16xf32>
    %swap3A_271 = vector.shape_cast %broadcast_in_dim3A_267 : vector<16xf32> to vector<16xf32>
    tpu.vector_store %arg6[%swap3A_268], %swap3A_271 {strides = array<i32>} : memref<640xf32, #tpu.memory_space<vmem>>, vector<16xf32>,
    %broadcast_in_dim3A_272 = arith.constant 0.000000e+00 : f32
    %broadcast_in_dim3A_273 = vector.broadcast %broadcast_in_dim3A_272 : f32 to vector<16xf32>
    %swap3A_274 = arith.constant 560 : index
    %swap3A_275 = tpu.vector_load %arg6[%swap3A_274] {strides = array<i32>} : memref<640xf32, #tpu.memory_space<vmem>>, vector<16xf32>,
    %swap3A_276 = vector.shape_cast %swap3A_275 : vector<16xf32> to vector<16xf32>
    %swap3A_277 = vector.shape_cast %broadcast_in_dim3A_273 : vector<16xf32> to vector<16xf32>
    tpu.vector_store %arg6[%swap3A_274], %swap3A_277 {strides = array<i32>} : memref<640xf32, #tpu.memory_space<vmem>>, vector<16xf32>,
    %broadcast_in_dim3A_278 = arith.constant 0.000000e+00 : f32
    %broadcast_in_dim3A_279 = vector.broadcast %broadcast_in_dim3A_278 : f32 to vector<16xf32>
    %swap3A_280 = arith.constant 576 : index
    %swap3A_281 = tpu.vector_load %arg6[%swap3A_280] {strides = array<i32>} : memref<640xf32, #tpu.memory_space<vmem>>, vector<16xf32>,
    %swap3A_282 = vector.shape_cast %swap3A_281 : vector<16xf32> to vector<16xf32>
    %swap3A_283 = vector.shape_cast %broadcast_in_dim3A_279 : vector<16xf32> to vector<16xf32>
    tpu.vector_store %arg6[%swap3A_280], %swap3A_283 {strides = array<i32>} : memref<640xf32, #tpu.memory_space<vmem>>, vector<16xf32>,
    %broadcast_in_dim3A_284 = arith.constant 0.000000e+00 : f32
    %broadcast_in_dim3A_285 = vector.broadcast %broadcast_in_dim3A_284 : f32 to vector<16xf32>
    %swap3A_286 = arith.constant 592 : index
    %swap3A_287 = tpu.vector_load %arg6[%swap3A_286] {strides = array<i32>} : memref<640xf32, #tpu.memory_space<vmem>>, vector<16xf32>,
    %swap3A_288 = vector.shape_cast %swap3A_287 : vector<16xf32> to vector<16xf32>
    %swap3A_289 = vector.shape_cast %broadcast_in_dim3A_285 : vector<16xf32> to vector<16xf32>
    tpu.vector_store %arg6[%swap3A_286], %swap3A_289 {strides = array<i32>} : memref<640xf32, #tpu.memory_space<vmem>>, vector<16xf32>,
    %broadcast_in_dim3A_290 = arith.constant 0.000000e+00 : f32
    %broadcast_in_dim3A_291 = vector.broadcast %broadcast_in_dim3A_290 : f32 to vector<16xf32>
    %swap3A_292 = arith.constant 608 : index
    %swap3A_293 = tpu.vector_load %arg6[%swap3A_292] {strides = array<i32>} : memref<640xf32, #tpu.memory_space<vmem>>, vector<16xf32>,
    %swap3A_294 = vector.shape_cast %swap3A_293 : vector<16xf32> to vector<16xf32>
    %swap3A_295 = vector.shape_cast %broadcast_in_dim3A_291 : vector<16xf32> to vector<16xf32>
    tpu.vector_store %arg6[%swap3A_292], %swap3A_295 {strides = array<i32>} : memref<640xf32, #tpu.memory_space<vmem>>, vector<16xf32>,
    %broadcast_in_dim3A_296 = arith.constant 0.000000e+00 : f32
    %broadcast_in_dim3A_297 = vector.broadcast %broadcast_in_dim3A_296 : f32 to vector<16xf32>
    %swap3A_298 = arith.constant 624 : index
    %swap3A_299 = tpu.vector_load %arg6[%swap3A_298] {strides = array<i32>} : memref<640xf32, #tpu.memory_space<vmem>>, vector<16xf32>,
    %swap3A_300 = vector.shape_cast %swap3A_299 : vector<16xf32> to vector<16xf32>
    %swap3A_301 = vector.shape_cast %broadcast_in_dim3A_297 : vector<16xf32> to vector<16xf32>
    tpu.vector_store %arg6[%swap3A_298], %swap3A_301 {strides = array<i32>} : memref<640xf32, #tpu.memory_space<vmem>>, vector<16xf32>,
    %mul3A_302 = arith.constant 640 : i32
    %mul3A_303 = arith.muli %arg1, %mul3A_302 : i32
    "tpu.region"() ({
      %run_scoped3A = tpu.sem_alloc : memref<!tpu.dma_semaphore, #tpu.memory_space<semaphore_mem>>
      %dma_start3A = tpu.memref_slice %arg7[%mul3A_303] : memref<10240xf32, #tpu.memory_space<vmem_shared>> -> memref<640xf32, #tpu.memory_space<vmem_shared>>
      %dma_start3A_329 = tpu.memref_slice %arg7[%mul3A_303] : memref<10240xf32, #tpu.memory_space<vmem_shared>> -> memref<640xf32, #tpu.memory_space<vmem_shared>>
      tpu.enqueue_dma source(%arg6 : memref<640xf32, #tpu.memory_space<vmem>>) target(%dma_start3A_329 : memref<640xf32, #tpu.memory_space<vmem_shared>>) target_semaphore(%run_scoped3A : memref<!tpu.dma_semaphore, #tpu.memory_space<semaphore_mem>>)
      %dma_wait3A = tpu.memref_slice %arg7[%mul3A_303] : memref<10240xf32, #tpu.memory_space<vmem_shared>> -> memref<640xf32, #tpu.memory_space<vmem_shared>>
      %dma_wait3A_330 = tpu.memref_slice %arg7[%mul3A_303] : memref<10240xf32, #tpu.memory_space<vmem_shared>> -> memref<640xf32, #tpu.memory_space<vmem_shared>>
      tpu.wait_dma2 semaphore(%run_scoped3A : memref<!tpu.dma_semaphore, #tpu.memory_space<semaphore_mem>>) src(%arg6 : memref<640xf32, #tpu.memory_space<vmem>>) dst(%dma_wait3A_330 : memref<640xf32, #tpu.memory_space<vmem_shared>>)
      tpu.yield
    }) : () -> ()
    %barrier3A = arith.constant 0 : index
    tpu.barrier barrier_id(%barrier3A)
    %while3A_304 = arith.constant 0 : i32
    %while3A_305 = arith.constant 0 : i32
    %while3A_306 = arith.subi %select_n3A, %while3A_305 : i32
    %while3A_307 = arith.addi %while3A_305, %while3A_306 : i32
    %while3A_308 = arith.constant 1 : i32
    %while3A_309 = arith.divsi %while3A_306, %while3A_308 : i32
    %while3A_310 = arith.muli %while3A_309, %while3A_308 : i32
    %while3A_311 = arith.addi %while3A_305, %while3A_310 : i32
    %while3A_312 = arith.constant 1 : i32
    scf.for %while3A_329 = %while3A_305 to %while3A_311 step %while3A_312  : i32 {
      %add3A_330 = arith.addi %add3A_6, %while3A_329 : i32
      %mul3A_331 = arith.constant 128 : i32
      %mul3A_332 = arith.muli %add3A_330, %mul3A_331 : i32
      %dma_wait3A = arith.constant 0 : i32
      %dma_wait3A_333 = arith.constant 0 : i32
      %dma_wait3A_334 = tpu.memref_slice %arg4[%while3A_329, %dma_wait3A, %dma_wait3A_333] : memref<79x2x128xi32, #tpu.memory_space<vmem>> -> memref<1x2x128xi32, #tpu.memory_space<vmem>>
      %dma_wait3A_335 = tpu.memref_squeeze %dma_wait3A_334 : memref<1x2x128xi32, #tpu.memory_space<vmem>> -> memref<2x128xi32, #tpu.memory_space<vmem>>
      %dma_wait3A_336 = arith.constant 0 : i32
      %dma_wait3A_337 = tpu.memref_slice %arg2[%dma_wait3A_336, %mul3A_332] : memref<2x320000xi32, #tpu.memory_space<hbm>> -> memref<2x128xi32, #tpu.memory_space<hbm>>
      %dma_wait3A_338 = arith.constant 0 : i32
      %dma_wait3A_339 = arith.constant 0 : i32
      %dma_wait3A_340 = tpu.memref_slice %arg4[%while3A_329, %dma_wait3A_338, %dma_wait3A_339] : memref<79x2x128xi32, #tpu.memory_space<vmem>> -> memref<1x2x128xi32, #tpu.memory_space<vmem>>
      %dma_wait3A_341 = tpu.memref_squeeze %dma_wait3A_340 : memref<1x2x128xi32, #tpu.memory_space<vmem>> -> memref<2x128xi32, #tpu.memory_space<vmem>>
      %dma_wait3A_342 = arith.constant 0 : i32
      %dma_wait3A_343 = tpu.memref_slice %arg2[%dma_wait3A_342, %mul3A_332] : memref<2x320000xi32, #tpu.memory_space<hbm>> -> memref<2x128xi32, #tpu.memory_space<hbm>>
      tpu.wait_dma2 semaphore(%arg8 : memref<!tpu.dma_semaphore, #tpu.memory_space<semaphore_mem>>) src(%dma_wait3A_343 : memref<2x128xi32, #tpu.memory_space<hbm>>) dst(%dma_wait3A_341 : memref<2x128xi32, #tpu.memory_space<vmem>>)
      %dma_start3A = arith.constant 1 : i32
      %dma_start3A_344 = arith.constant 0 : i32
      %dma_start3A_345 = tpu.memref_slice %arg4[%while3A_329, %dma_start3A, %dma_start3A_344] : memref<79x2x128xi32, #tpu.memory_space<vmem>> -> memref<1x1x128xi32, #tpu.memory_space<vmem>>
      %dma_start3A_346 = tpu.memref_squeeze %dma_start3A_345 : memref<1x1x128xi32, #tpu.memory_space<vmem>> -> memref<128xi32, #tpu.memory_space<vmem>>
      %dma_start3A_347 = arith.constant 0 : i32
      %dma_start3A_348 = tpu.memref_slice %arg7[%dma_start3A_347] : memref<10240xf32, #tpu.memory_space<vmem_shared>> -> memref<10240xf32, #tpu.memory_space<vmem_shared>>
      tpu.enqueue_indirect_dma source(%arg5 : memref<128xf32, #tpu.memory_space<vmem>>) target(%dma_start3A_348 : memref<10240xf32, #tpu.memory_space<vmem_shared>>) offsets(%dma_start3A_346 : memref<128xi32, #tpu.memory_space<vmem>>) semaphore(%arg9 : memref<!tpu.dma_semaphore, #tpu.memory_space<semaphore_mem>>) {add = true}
    }
    %while3A_313 = arith.constant 1 : i32
    scf.for %while3A_329 = %while3A_311 to %while3A_307 step %while3A_313  : i32 {
      %add3A_330 = arith.addi %add3A_6, %while3A_329 : i32
      %mul3A_331 = arith.constant 128 : i32
      %mul3A_332 = arith.muli %add3A_330, %mul3A_331 : i32
      %dma_wait3A = arith.constant 0 : i32
      %dma_wait3A_333 = arith.constant 0 : i32
      %dma_wait3A_334 = tpu.memref_slice %arg4[%while3A_329, %dma_wait3A, %dma_wait3A_333] : memref<79x2x128xi32, #tpu.memory_space<vmem>> -> memref<1x2x128xi32, #tpu.memory_space<vmem>>
      %dma_wait3A_335 = tpu.memref_squeeze %dma_wait3A_334 : memref<1x2x128xi32, #tpu.memory_space<vmem>> -> memref<2x128xi32, #tpu.memory_space<vmem>>
      %dma_wait3A_336 = arith.constant 0 : i32
      %dma_wait3A_337 = tpu.memref_slice %arg2[%dma_wait3A_336, %mul3A_332] : memref<2x320000xi32, #tpu.memory_space<hbm>> -> memref<2x128xi32, #tpu.memory_space<hbm>>
      %dma_wait3A_338 = arith.constant 0 : i32
      %dma_wait3A_339 = arith.constant 0 : i32
      %dma_wait3A_340 = tpu.memref_slice %arg4[%while3A_329, %dma_wait3A_338, %dma_wait3A_339] : memref<79x2x128xi32, #tpu.memory_space<vmem>> -> memref<1x2x128xi32, #tpu.memory_space<vmem>>
      %dma_wait3A_341 = tpu.memref_squeeze %dma_wait3A_340 : memref<1x2x128xi32, #tpu.memory_space<vmem>> -> memref<2x128xi32, #tpu.memory_space<vmem>>
      %dma_wait3A_342 = arith.constant 0 : i32
      %dma_wait3A_343 = tpu.memref_slice %arg2[%dma_wait3A_342, %mul3A_332] : memref<2x320000xi32, #tpu.memory_space<hbm>> -> memref<2x128xi32, #tpu.memory_space<hbm>>
      tpu.wait_dma2 semaphore(%arg8 : memref<!tpu.dma_semaphore, #tpu.memory_space<semaphore_mem>>) src(%dma_wait3A_343 : memref<2x128xi32, #tpu.memory_space<hbm>>) dst(%dma_wait3A_341 : memref<2x128xi32, #tpu.memory_space<vmem>>)
      %dma_start3A = arith.constant 1 : i32
      %dma_start3A_344 = arith.constant 0 : i32
      %dma_start3A_345 = tpu.memref_slice %arg4[%while3A_329, %dma_start3A, %dma_start3A_344] : memref<79x2x128xi32, #tpu.memory_space<vmem>> -> memref<1x1x128xi32, #tpu.memory_space<vmem>>
      %dma_start3A_346 = tpu.memref_squeeze %dma_start3A_345 : memref<1x1x128xi32, #tpu.memory_space<vmem>> -> memref<128xi32, #tpu.memory_space<vmem>>
      %dma_start3A_347 = arith.constant 0 : i32
      %dma_start3A_348 = tpu.memref_slice %arg7[%dma_start3A_347] : memref<10240xf32, #tpu.memory_space<vmem_shared>> -> memref<10240xf32, #tpu.memory_space<vmem_shared>>
      tpu.enqueue_indirect_dma source(%arg5 : memref<128xf32, #tpu.memory_space<vmem>>) target(%dma_start3A_348 : memref<10240xf32, #tpu.memory_space<vmem_shared>>) offsets(%dma_start3A_346 : memref<128xi32, #tpu.memory_space<vmem>>) semaphore(%arg9 : memref<!tpu.dma_semaphore, #tpu.memory_space<semaphore_mem>>) {add = true}
    }
    %while3A_314 = arith.constant 0 : i32
    %while3A_315 = arith.constant 0 : i32
    %while3A_316 = arith.subi %select_n3A, %while3A_315 : i32
    %while3A_317 = arith.addi %while3A_315, %while3A_316 : i32
    %while3A_318 = arith.constant 1 : i32
    %while3A_319 = arith.divsi %while3A_316, %while3A_318 : i32
    %while3A_320 = arith.muli %while3A_319, %while3A_318 : i32
    %while3A_321 = arith.addi %while3A_315, %while3A_320 : i32
    %while3A_322 = arith.constant 1 : i32
    scf.for %while3A_329 = %while3A_315 to %while3A_321 step %while3A_322  : i32 {
      %dma_wait3A = arith.constant 1 : i32
      %dma_wait3A_330 = arith.constant 0 : i32
      %dma_wait3A_331 = tpu.memref_slice %arg4[%while3A_329, %dma_wait3A, %dma_wait3A_330] : memref<79x2x128xi32, #tpu.memory_space<vmem>> -> memref<1x1x128xi32, #tpu.memory_space<vmem>>
      %dma_wait3A_332 = tpu.memref_squeeze %dma_wait3A_331 : memref<1x1x128xi32, #tpu.memory_space<vmem>> -> memref<128xi32, #tpu.memory_space<vmem>>
      %dma_wait3A_333 = arith.constant 0 : i32
      %dma_wait3A_334 = tpu.memref_slice %arg7[%dma_wait3A_333] : memref<10240xf32, #tpu.memory_space<vmem_shared>> -> memref<10240xf32, #tpu.memory_space<vmem_shared>>
      tpu.wait_indirect_dma semaphore(%arg9 : memref<!tpu.dma_semaphore, #tpu.memory_space<semaphore_mem>>) src(%arg5 : memref<128xf32, #tpu.memory_space<vmem>>) dst(%dma_wait3A_334 : memref<10240xf32, #tpu.memory_space<vmem_shared>>)
    }
    %while3A_323 = arith.constant 1 : i32
    scf.for %while3A_329 = %while3A_321 to %while3A_317 step %while3A_323  : i32 {
      %dma_wait3A = arith.constant 1 : i32
      %dma_wait3A_330 = arith.constant 0 : i32
      %dma_wait3A_331 = tpu.memref_slice %arg4[%while3A_329, %dma_wait3A, %dma_wait3A_330] : memref<79x2x128xi32, #tpu.memory_space<vmem>> -> memref<1x1x128xi32, #tpu.memory_space<vmem>>
      %dma_wait3A_332 = tpu.memref_squeeze %dma_wait3A_331 : memref<1x1x128xi32, #tpu.memory_space<vmem>> -> memref<128xi32, #tpu.memory_space<vmem>>
      %dma_wait3A_333 = arith.constant 0 : i32
      %dma_wait3A_334 = tpu.memref_slice %arg7[%dma_wait3A_333] : memref<10240xf32, #tpu.memory_space<vmem_shared>> -> memref<10240xf32, #tpu.memory_space<vmem_shared>>
      tpu.wait_indirect_dma semaphore(%arg9 : memref<!tpu.dma_semaphore, #tpu.memory_space<semaphore_mem>>) src(%arg5 : memref<128xf32, #tpu.memory_space<vmem>>) dst(%dma_wait3A_334 : memref<10240xf32, #tpu.memory_space<vmem_shared>>)
    }
    %barrier3A_324 = arith.constant 0 : index
    tpu.barrier barrier_id(%barrier3A_324)
    %mul3A_325 = arith.constant 640 : i32
    %mul3A_326 = arith.muli %arg1, %mul3A_325 : i32
    %mul3A_327 = arith.constant 640 : i32
    %mul3A_328 = arith.muli %arg1, %mul3A_327 : i32
    "tpu.region"() ({
      %run_scoped3A = tpu.sem_alloc : memref<!tpu.dma_semaphore, #tpu.memory_space<semaphore_mem>>
      %dma_start3A = tpu.memref_slice %arg3[%arg0, %mul3A_328] : memref<2x10240xf32, #tpu.memory_space<hbm>> -> memref<1x640xf32, #tpu.memory_space<hbm>>
      %dma_start3A_329 = tpu.memref_squeeze %dma_start3A : memref<1x640xf32, #tpu.memory_space<hbm>> -> memref<640xf32, #tpu.memory_space<hbm>>
      %dma_start3A_330 = tpu.memref_slice %arg7[%mul3A_326] : memref<10240xf32, #tpu.memory_space<vmem_shared>> -> memref<640xf32, #tpu.memory_space<vmem_shared>>
      tpu.enqueue_dma source(%dma_start3A_330 : memref<640xf32, #tpu.memory_space<vmem_shared>>) target(%dma_start3A_329 : memref<640xf32, #tpu.memory_space<hbm>>) target_semaphore(%run_scoped3A : memref<!tpu.dma_semaphore, #tpu.memory_space<semaphore_mem>>)
      %dma_wait3A = tpu.memref_slice %arg3[%arg0, %mul3A_328] : memref<2x10240xf32, #tpu.memory_space<hbm>> -> memref<1x640xf32, #tpu.memory_space<hbm>>
      %dma_wait3A_331 = tpu.memref_squeeze %dma_wait3A : memref<1x640xf32, #tpu.memory_space<hbm>> -> memref<640xf32, #tpu.memory_space<hbm>>
      %dma_wait3A_332 = tpu.memref_slice %arg7[%mul3A_326] : memref<10240xf32, #tpu.memory_space<vmem_shared>> -> memref<640xf32, #tpu.memory_space<vmem_shared>>
      tpu.wait_dma2 semaphore(%run_scoped3A : memref<!tpu.dma_semaphore, #tpu.memory_space<semaphore_mem>>) src(%dma_wait3A_332 : memref<640xf32, #tpu.memory_space<vmem_shared>>) dst(%dma_wait3A_331 : memref<640xf32, #tpu.memory_space<hbm>>)
      tpu.yield
    }) : () -> ()
    return
  }
}

module attributes {stable_mosaic.version = 14 : i64} {
  func.func @_mean_body(%arg0: memref<128x10000xf32, #tpu.memory_space<vmem>>, %arg1: memref<16x10000xf32, #tpu.memory_space<vmem>>) attributes {dimension_semantics = [], scalar_prefetch = 0 : i64, scratch_operands = 0 : i64, tpu.core_type = #tpu.core_type<tc>} {
    %iota3A = tpu.iota {dimensions = array<i32: 0>} : vector<16x128xi32>
    %iota3A_0 = tpu.iota {dimensions = array<i32: 1>} : vector<16x128xi32>
    %jit3A = arith.constant 16 : i32
    %eq3A = arith.constant 0 : i32
    %eq3A_1 = arith.cmpi eq, %jit3A, %eq3A : i32
    %jit3A_2 = arith.constant 1 : i32
    %select_n3A = arith.select %eq3A_1, %jit3A_2, %jit3A : i32
    %rem3A = vector.broadcast %select_n3A : i32 to vector<16x128xi32>
    %rem3A_3 = arith.remsi %iota3A_0, %rem3A : vector<16x128xi32>
    %ne3A = arith.constant 0 : i32
    %ne3A_4 = vector.broadcast %ne3A : i32 to vector<16x128xi32>
    %ne3A_5 = arith.cmpi ne, %rem3A_3, %ne3A_4 : vector<16x128xi32>
    %lt3A = arith.constant 0 : i32
    %lt3A_6 = vector.broadcast %lt3A : i32 to vector<16x128xi32>
    %lt3A_7 = arith.cmpi slt, %rem3A_3, %lt3A_6 : vector<16x128xi32>
    %lt3A_8 = arith.constant 0 : i32
    %lt3A_9 = arith.cmpi slt, %select_n3A, %lt3A_8 : i32
    %ne3A_10 = vector.broadcast %lt3A_9 : i1 to vector<16x128xi1>
    %ne3A_11 = vector.broadcast %ne3A_10 : vector<16x128xi1> to vector<16x128xi1>
    %ne3A_12 = arith.xori %lt3A_7, %ne3A_11 : vector<16x128xi1>
    %and3A = arith.andi %ne3A_12, %ne3A_5 : vector<16x128xi1>
    %add3A = vector.broadcast %select_n3A : i32 to vector<16x128xi32>
    %add3A_13 = arith.addi %rem3A_3, %add3A : vector<16x128xi32>
    %select_n3A_14 = arith.select %and3A, %add3A_13, %rem3A_3 : vector<16x128xi1>, vector<16x128xi32>
    %eq3A_15 = arith.cmpi eq, %select_n3A_14, %iota3A : vector<16x128xi32>
    %jit3A_16 = arith.constant 1.250000e-01 : f32
    %jit3A_17 = arith.constant 0.000000e+00 : f32
    %broadcast_in_dim3A = vector.broadcast %jit3A_16 : f32 to vector<16x128xf32>
    %broadcast_in_dim3A_18 = vector.broadcast %jit3A_17 : f32 to vector<16x128xf32>
    %select_n3A_19 = arith.select %eq3A_15, %broadcast_in_dim3A, %broadcast_in_dim3A_18 : vector<16x128xi1>, vector<16x128xf32>
    %get3A = arith.constant 0 : index
    %get3A_20 = arith.constant 0 : index
    %get3A_21 = vector.load %arg0[%get3A, %get3A_20] : memref<128x10000xf32, #tpu.memory_space<vmem>>, vector<128x10000xf32>
    %dot_general3A = arith.constant dense<0.000000e+00> : vector<16x10000xf32>
    %dot_general3A_22 = tpu.matmul %select_n3A_19, %get3A_21, %dot_general3A {dimension_numbers = #tpu.dot_dimension_numbers<[1], [0], [0], [1], [0, 0, 1, 1], [], []>, precision = #tpu.contract_precision<fp32>, transpose_lhs_hint = false} : vector<16x128xf32>, vector<128x10000xf32>, vector<16x10000xf32> -> vector<16x10000xf32>
    %swap3A = arith.constant 0 : index
    %swap3A_23 = arith.constant 0 : index
    %swap3A_24 = vector.load %arg1[%swap3A, %swap3A_23] : memref<16x10000xf32, #tpu.memory_space<vmem>>, vector<16x10000xf32>
    tpu.vector_store %arg1[%swap3A, %swap3A_23], %dot_general3A_22 {strides = array<i32>} : memref<16x10000xf32, #tpu.memory_space<vmem>>, vector<16x10000xf32>,
    return
  }
}

module attributes {stable_mosaic.version = 14 : i64} {
  func.func @_apply_body(%arg0: memref<16x10000xf32, #tpu.memory_space<vmem>>, %arg1: memref<2x10240xf32, #tpu.memory_space<vmem>>, %arg2: memref<16x8xf32, #tpu.memory_space<vmem>>, %arg3: memref<16x10000xf32, #tpu.memory_space<vmem>>) attributes {dimension_semantics = [], scalar_prefetch = 0 : i64, scratch_operands = 0 : i64, tpu.core_type = #tpu.core_type<tc>} {
    %get3A = arith.constant 0 : index
    %get3A_0 = arith.constant 0 : index
    %get3A_1 = vector.load %arg1[%get3A, %get3A_0] : memref<2x10240xf32, #tpu.memory_space<vmem>>, vector<2x10240xf32>
    %slice3A = vector.extract_strided_slice %get3A_1 {offsets = [0, 0], sizes = [1, 10000], strides = [1, 1]} : vector<2x10240xf32> to vector<1x10000xf32>
    %slice3A_2 = vector.extract_strided_slice %get3A_1 {offsets = [1, 0], sizes = [1, 10000], strides = [1, 1]} : vector<2x10240xf32> to vector<1x10000xf32>
    %add3A = arith.addf %slice3A, %slice3A_2 : vector<1x10000xf32>
    %gt3A = arith.constant 0.000000e+00 : f32
    %gt3A_3 = vector.broadcast %gt3A : f32 to vector<1x10000xf32>
    %gt3A_4 = arith.cmpf ogt, %add3A, %gt3A_3 : vector<1x10000xf32>
    %get3A_5 = arith.constant 0 : index
    %get3A_6 = arith.constant 0 : index
    %get3A_7 = vector.load %arg2[%get3A_5, %get3A_6] : memref<16x8xf32, #tpu.memory_space<vmem>>, vector<16x8xf32>
    %reduce_sum3A = arith.constant dense<0.000000e+00> : vector<16xf32>
    %reduce_sum3A_8 = vector.multi_reduction <add>, %get3A_7, %reduce_sum3A [1] : vector<16x8xf32> to vector<16xf32>
    %broadcast_in_dim3A = vector.shape_cast %reduce_sum3A_8 : vector<16xf32> to vector<16x1xf32>
    %div3A = arith.constant 8.000000e+00 : f32
    %div3A_9 = vector.broadcast %div3A : f32 to vector<16x1xf32>
    %div3A_10 = arith.divf %broadcast_in_dim3A, %div3A_9 : vector<16x1xf32>
    %get3A_11 = arith.constant 0 : index
    %get3A_12 = arith.constant 0 : index
    %get3A_13 = vector.load %arg0[%get3A_11, %get3A_12] : memref<16x10000xf32, #tpu.memory_space<vmem>>, vector<16x10000xf32>
    %jit3A = arith.constant 0.000000e+00 : f32
    %broadcast_in_dim3A_14 = vector.shape_cast %gt3A_4 : vector<1x10000xi1> to vector<1x10000xi1>
    %broadcast_in_dim3A_15 = vector.broadcast %broadcast_in_dim3A_14 : vector<1x10000xi1> to vector<16x10000xi1>
    %broadcast_in_dim3A_16 = vector.broadcast %jit3A : f32 to vector<16x10000xf32>
    %select_n3A = arith.select %broadcast_in_dim3A_15, %get3A_13, %broadcast_in_dim3A_16 : vector<16x10000xi1>, vector<16x10000xf32>
    %add3A_17 = vector.broadcast %div3A_10 : vector<16x1xf32> to vector<16x10000xf32>
    %add3A_18 = arith.addf %select_n3A, %add3A_17 : vector<16x10000xf32>
    %swap3A = arith.constant 0 : index
    %swap3A_19 = arith.constant 0 : index
    %swap3A_20 = vector.load %arg3[%swap3A, %swap3A_19] : memref<16x10000xf32, #tpu.memory_space<vmem>>, vector<16x10000xf32>
    tpu.vector_store %arg3[%swap3A, %swap3A_19], %add3A_18 {strides = array<i32>} : memref<16x10000xf32, #tpu.memory_space<vmem>>, vector<16x10000xf32>,
    return
  }
}

</mosaic_0001>

<sc_bundles>
// kernel: kernel.5.cloned.1.call-start
scs
__scs_entry_jumppad:
0x0: {  	(pc) =	sbr.rel $0x88, $3  }
0x1: {  	(tag) =	ssettag $0x0;
	lr =	simm.s32 $0x1  }
0x2: {  	[smem:$0x3F9E] =	sst lr;
	_ =	strace $0xD0000000  }
0x3: {  	_ = 	snop  }
0x4: {  	_ = 	snop  }
0x5: {  	_ = 	snop  }
0x6: {  	_ = 	snop  }
0x7: {  	_ = 	snop  }
__scs_overlays_trampoline_lowered:
0x8: {  	[smem:$0x3FAD] =	sst s0  }
0x9: {  	[smem:$0x3FAE] =	sst s1  }
0xa: {  	[smem:$0x3FAF] =	sst s2  }
0xb: {  	[smem:$0x3FB0] =	sst s3  }
0xc: {  	[smem:$0x3FB1] =	sst s4  }
0xd: {  	[smem:$0x3FB2] =	sst s5  }
0xe: {  	[smem:$0x3FB3] =	sst s6  }
0xf: {  	[smem:$0x3FB4] =	sst s7  }
0x10: {  	[smem:$0x3FB5] =	sst s8  }
0x11: {  	[smem:$0x3FB6] =	sst s9;
	s0 =	simm.s32 @!p0 $0x0  }
0x12: {  	s1 =	sld [smem:$0x3F9C];
	s0 =	simm.s32 @p0 $0x1  }
0x13: {  	[smem:$0x3FB7] =	sst s0;
	s0 =	simm.s32 @!p1 $0x0  }
0x14: {  	s2 =	sld [smem:$0x3F9B];
	s0 =	simm.s32 @p1 $0x1  }
0x15: {  	[smem:$0x3FB8] =	sst s0;
	s0 =	simm.s32 @!p2 $0x0  }
0x16: {  	s3 =	sld [smem:$0x3FDB];
	s0 =	simm.s32 @p2 $0x1  }
0x17: {  	s4 =	simm.s32 $0x1BF5;
	[smem:$0x3FBA] =	sst s0  }
0x18: {  	s0 =	sld [smem:$0x3F9D];
	_ =	swait.ge [sflag:s4], $0x0  }
0x19: {  	s7 =	sld [smem:$0x3F9E]  }
0x1a: {  	s8 =	sadd.s32 $0xFFFFE003, lr  }
0x1b: {  	s9 =	sadd.s32 $0xFFFFFEF7, lr;
	s5 =	simm.s32 $0xFFFFFFFF;
	p2 =	slt.u32 s8, $0xFFFFF086  }
0x1c: {  	p1 =	slt.u32 s9, $0xF7A;
	s5 =	simm.s32 @!p2 $0x0  }
0x1d: {  	s5 =	simm.s32 @p1 $0x1;
	p0 =	seq.s32 s7, s2  }
0x1e: {  	s7 =	smul.u32 @!p0 $0xF7A, s2;
	p2 =	seq.s32 @!p0 s5, $0x0  }
0x1f: {  	s9 =	smul.u32 $0xF7A, s1;
	s8 =	simm.s32 @!p0 $0x1BF5;
	p2 =	por !p2, p0  }
0x20: {  	[sflag:s8] =	ssyncset.s32 @!p0 $0xFFFFF086;
	s6 =	sadd.s32 @!p0 s3, s7;
	s7 =	simm.s32 @!p0 $0x108  }
0x21: {  	s3 =	sadd.s32 s3, s9;
	s6 =	sadd.s32 @!p0 $0x88, s6;
	s7 =	simm.s32 @p2 $0x1082  }
0x22: {  	[simem:s7], [sflag:s8] =	dma.local @!p0 [hbm:s6], $0xF7A  }
0x23: {  	s9 =	sor.u32 $0xD0000000, s2;
	s6 =	simm.s32 $0x108;
	_ =	swait.ge @!p0 [sflag:s8], $0x0  }
0x24: {  	s3 =	sadd.s32 $0x88, s3;
	s6 =	simm.s32 @!p1 $0x1082;
	[sflag:s4] =	ssyncset.s32 $0xFFFFF086  }
0x25: {  	[simem:s6], [sflag:s4] =	dma.local [hbm:s3], $0xF7A  }
0x26: {  	[smem:$0x3F9E] =	sst s1;
	(tag) =	ssettag s2;
	_ =	strace s9  }
0x27: {  	s1 =	sld [smem:$0x3FAE]  }
0x28: {  	s2 =	sld [smem:$0x3FAF]  }
0x29: {  	s4 =	sld [smem:$0x3FB1]  }
0x2a: {  	p0 =	seq.s32 s5, $0x0;
	s5 =	sld [smem:$0x3FB2]  }
0x2b: {  	s6 =	sld [smem:$0x3FB3]  }
0x2c: {  	s7 =	sld [smem:$0x3FB4]  }
0x2d: {  	s3 =	simm.s32 $0x108;
	s8 =	sld [smem:$0x3FB5]  }
0x2e: {  	s3 =	simm.s32 @!p0 $0x1082;
	s9 =	sld [smem:$0x3FB6]  }
0x2f: {  	lr =	sadd.s32 s0, s3;
	s0 =	sld [smem:$0x3FAD]  }
0x30: {  	s3 =	sld [smem:$0x3FB0]  }
0x31: {  	[smem:$0x3FB9] =	sst s10  }
0x32: {  	s10 =	sld [smem:$0x3FB7];
	_ =	sdelay $0x3  }
0x33: {  	p0 =	seq.s32 s10, $0x1;
	s10 =	sld [smem:$0x3FB9];
	_ =	sdelay $0x3  }
0x34: {  	[smem:$0x3FB9] =	sst s10  }
0x35: {  	s10 =	sld [smem:$0x3FB8];
	_ =	sdelay $0x3  }
0x36: {  	p1 =	seq.s32 s10, $0x1;
	s10 =	sld [smem:$0x3FB9];
	_ =	sdelay $0x3  }
0x37: {  	[smem:$0x3FB9] =	sst s10  }
0x38: {  	s10 =	sld [smem:$0x3FBA]  }
0x39: {  	_ = 	snop;
	(pc) =	sbr.ind lr, $3  }
0x3a: {  	_ = 	snop  }
0x3b: {  	_ = 	snop  }
0x3c: {  	p2 =	seq.s32 s10, $0x1;
	s10 =	sld [smem:$0x3FB9]  }
0x3d: {  	_ =	shalt  }
0x3e: {  	_ =	shalt  }
0x3f: {  	_ =	shalt  }
0x40: {  	_ =	shalt  }
0x41: {  	_ =	shalt  }
0x42: {  	_ =	shalt  }
0x43: {  	_ =	shalt  }
0x44: {  	_ =	shalt  }
0x45: {  	_ =	shalt  }
0x46: {  	_ =	shalt  }
0x47: {  	_ =	shalt  }
0x48: {  	_ =	shalt  }
0x49: {  	_ =	shalt  }
0x4a: {  	_ =	shalt  }
0x4b: {  	_ =	shalt  }
0x4c: {  	_ =	shalt  }
0x4d: {  	_ =	shalt  }
0x4e: {  	_ =	shalt  }
0x4f: {  	_ =	shalt  }
0x50: {  	_ =	shalt  }
0x51: {  	_ =	shalt  }
0x52: {  	_ =	shalt  }
0x53: {  	_ =	shalt  }
0x54: {  	_ =	shalt  }
0x55: {  	_ =	shalt  }
0x56: {  	_ =	shalt  }
0x57: {  	_ =	shalt  }
0x58: {  	_ =	shalt  }
0x59: {  	_ =	shalt  }
0x5a: {  	_ =	shalt  }
0x5b: {  	_ =	shalt  }
0x5c: {  	_ =	shalt  }
0x5d: {  	_ =	shalt  }
0x5e: {  	_ =	shalt  }
0x5f: {  	_ =	shalt  }
0x60: {  	_ =	shalt  }
0x61: {  	_ =	shalt  }
0x62: {  	_ =	shalt  }
0x63: {  	_ =	shalt  }
0x64: {  	_ =	shalt  }
0x65: {  	_ =	shalt  }
0x66: {  	_ =	shalt  }
0x67: {  	_ =	shalt  }
0x68: {  	_ =	shalt  }
0x69: {  	_ =	shalt  }
0x6a: {  	_ =	shalt  }
0x6b: {  	_ =	shalt  }
0x6c: {  	_ =	shalt  }
0x6d: {  	_ =	shalt  }
0x6e: {  	_ =	shalt  }
0x6f: {  	_ =	shalt  }
0x70: {  	_ =	shalt  }
0x71: {  	_ =	shalt  }
0x72: {  	_ =	shalt  }
0x73: {  	_ =	shalt  }
0x74: {  	_ =	shalt  }
0x75: {  	_ =	shalt  }
0x76: {  	_ =	shalt  }
0x77: {  	_ =	shalt  }
0x78: {  	_ =	shalt  }
0x79: {  	_ =	shalt  }
0x7a: {  	_ =	shalt  }
0x7b: {  	_ =	shalt  }
0x7c: {  	_ =	shalt  }
0x7d: {  	_ =	shalt  }
0x7e: {  	_ =	shalt  }
0x7f: {  	_ =	shalt  }
0x80: {  	_ =	shalt  }
0x81: {  	_ =	shalt  }
0x82: {  	_ =	shalt  }
0x83: {  	_ =	shalt  }
0x84: {  	_ =	shalt  }
0x85: {  	_ =	shalt  }
0x86: {  	_ =	shalt  }
0x87: {  	_ =	shalt  }
.Lfunc_end0:
.L_simem_size_0:
called_computation_lowered:
.L_overlay_start_0:
0x88: {  	s2 =	sld [smem:$0x3FD9]  }
0x89: {  	s3 =	sld [smem:$0x3FFE];
	_ =	sdelay $0x1  }
0x8a: {  	s1 =	srdreg.scid  }
0x8b: {  	s0 =	sand.u32 $0x1, s1  }
0x8c: {  	s18 =	sshll.u32 s0, $0xA;
	s2 =	sadd.s32 s3, s2  }
0x8d: {  	s2 =	sadd.s32 s2, s18  }
0x8e: {  	[smem:$0x3FC5] =	sst s2  }
0x8f: {  	_ = 	snop  }
0x90: {  	s2 =	sld [smem:$0x3FC8]  }
0x91: {  	s19 =	sld [smem:$0x3FD0];
	(tm) =	ssettm $0x1  }
0x92: {  	s4 =	sld [smem:$0x3FFB];
	_ =	sdelay $0x3  }
0x93: {  	_ =	strace s4  }
0x94: {  	s4 =	sld [smem:$0x3FFC];
	_ =	sdelay $0x3  }
0x95: {  	_ =	strace s4  }
0x96: {  	s4 =	sld [smem:$0x3FFD];
	_ =	sdelay $0x3  }
0x97: {  	_ =	strace s4  }
0x98: {  	_ =	strace $0x8FFFFFFF  }
0x99: {  	s20 =	sld [smem:$0x3FDB];
	_ =	sdelay $0x1  }
0x9a: {  	s5 =	simm.s32 $_scs_section_size  }
0x9b: {  	s6 =	simm.s32 $_size__tile_overlayer_lowered;
	s7 =	simm.s32 $_tile_overlayer_lowered  }
0x9c: {  	s23 =	simm.s32 $0x1BFF;
	s22 =	sshll.u32 s7, $0x1;
	s4 =	sadd.s32 s5, s20  }
0x9d: {  	s8 =	simm.s32 $0x0;
	s21 =	sshll.u32 s6, $0x1;
	s6 =	sadd.s32 s22, s4  }
0x9e: {  	[timem:s8], [sflag:s23] =	dma.local [hbm:s6], s21  }
0x9f: {  	_ =	swait.ge [sflag:s23], s21  }
0xa0: {  	s5 =	ssub.s32 $0x0, s21;
	[sflag:s23] =	ssyncset.done $0x0  }
0xa1: {  	[sflag:s23] =	ssyncadd.s32 s5;
	_ =	sdelay $0x1  }
0xa2: {  	s24 =	simm.s32 $0x1B8B  }
0xa3: {  	_ =	swait.ge [sflag:s24], $0x1  }
0xa4: {  	[sflag:s24] =	ssyncset.done $0x0  }
0xa5: {  	s25 =	simm.s32 $0x1B8E;
	[sflag:s24] =	ssyncadd.s32 $0xFFFFFFFF  }
0xa6: {  	s26 =	simm.s32 $execute0_lowered;
	[smem:$0x3FD2] =	sst s25  }
0xa7: {  	s5 =	sshll.u32 s26, $0x1;
	_ =	strace $0x80000046;
	[dreg:$0x1] =	wrdreg $0xFFFFFFFF  }
0xa8: {  	s28 =	simm.s32 $_size_execute0_lowered;
	s4 =	sadd.s32 s4, s5;
	[dreg:$0x0] =	wrdreg $0x0  }
0xa9: {  	s5 =	sshll.u32 s28, $0x1;
	[dreg:$0x2] =	wrdreg s4  }
0xaa: {  	[dreg:$0x3] =	wrdreg s5  }
0xab: {  	[dreg:$0x4] =	wrdreg $0xC0  }
0xac: {  	_ =	task [dreg:s8], $0x5FFFF  }
0xad: {  	[dreg:$0x1] =	wrdreg $0xFFFFFFFF  }
0xae: {  	[dreg:$0x0] =	wrdreg $0x60  }
0xaf: {  	[dreg:$0x2] =	wrdreg s2  }
0xb0: {  	[dreg:$0x3] =	wrdreg s19  }
0xb1: {  	[dreg:$0x4] =	wrdreg $0x52000  }
0xb2: {  	[dreg:$0x5] =	wrdreg $0x9  }
0xb3: {  	_ =	task.clear_ibuf [dreg:s8], $0x6FFFF;
	_ =	strace $0x90000046  }
0xb4: {  	s29 =	simm.s32 $0x9;
	_ =	strace $0x80000048  }
0xb5: {  	_ =	swait.ge [sflag:s29], $0x1  }
0xb6: {  	[sflag:s29] =	ssyncadd.s32 $0xFFFFFFFF  }
0xb7: {  	_ =	strace $0x90000048  }
0xb8: {  	_ =	sfence  }
0xb9: {  	s30 =	sld [smem:$0x0];
	_ =	sdelay $0x2  }
0xba: {  	s31 =	sshll.u32 s1, $0xD;
	s1 =	sshrl.u32 s1, $0x2  }
0xbb: {  	s3 =	sand.u32 $0x4000, s31;
	s1 =	sadd.s32 s1, s30  }
0xbc: {  	s0 =	sor.u32 s3, s0;
	s1 =	sshll.u32 s1, $0x11  }
0xbd: {  	s0 =	sor.u32 s1, s0  }
0xbe: {  	s0 =	sadd.s32 $0x8F2B, s0  }
0xbf: {  	[sflag:s0] =	ssyncadd.remote.s32 $0x1  }
0xc0: {  	_ =	sfence.sel $0xFFFF  }
0xc1: {  	[dreg:$0x0] =	wrdreg $0xFFFFFFFF;
	(pc) =	sbr.abs _section_cstart, $3  }
0xc2: {  	[dreg:$0x1] =	wrdreg $0xFFFFFFFF  }
0xc3: {  	_ =	task.clear_ibuf [dreg:s8], $0x2FFFF;
	_ =	strace $0x9FFFFFFF  }
0xc4: {  	(tm) =	ssettm $0x7FFFFFFF  }
0xc5: {  	_ =	shalt  }
tec
execute0_lowered:
.L_overlay_start_1:
0x0: {  	(tag) =	ssettag $0x1  }
0x1: {  	s8 =	rddreg [dreg:$0x0]  }
0x2: {  	s6 =	rddreg [dreg:$0x1]  }
0x3: {  	s1 =	rddreg [dreg:$0x2]  }
0x4: {  	s0 =	rddreg [dreg:$0x3];
	s3 =	simm.s32 $0x0;
	s4 =	srdreg.scid  }
0x5: {  	s2 =	stileid.u32;
	s14 =	simm.s32 $0x2;
	s16 =	simm.s32 $0x20  }
0x6: {  	s17 =	simm.s32 $0x10;
	s18 =	simm.s32 $0x0;
	s7 =	smul.u32 $0xA00, s2  }
0x7: {  	[smem:$0x7FF] =	sst s3;
	s5 =	sand.u32 $0x1, s4;
	s11 =	smul.u32 $0x500, s2  }
0x8: {  	s13 =	smul.u32 $0x4E, s2;
	s15 =	sshll.u32 s2, $0x6;
	_ =	strace $0x80000047  }
0x9: {  	s4 =	ssub.s32 $0x2, s5;
	s10 =	sshll.u32 s5, $0x4;
	s12 =	smul.u32 $0x4E0, s5  }
0xa: {  	s5 =	sshll.u32 s5, $0x7;
	s15 =	sor.u32 $0x1C03, s15;
	s9 =	sshrl.u32 s4, $0x1  }
0xb: {  	s10 =	sor.u32 s2, s10;
	s7 =	sshrl.u32 s7, $0x2;
	s11 =	sor.u32 s5, s11  }
0xc: {  	s9 =	ssub.s32 s4, s9;
	p0 =	slt.u32 s10, $0x4;
	s4 =	simm.s32 $0x4F  }
0xd: {  	s12 =	sadd.s32 s13, s12;
	s10 =	smin.u32 s10, $0x4;
	s5 =	sadd.s32 s7, s1  }
0xe: {  	s30 =	sshrl.u32 s11, $0x3;
	s11 =	simm.s32 $0x1;
	s13 =	simm.s32 $0x4F00  }
0xf: {  	s4 =	simm.s32 @!p0 $0x4E;
	s10 =	sadd.s32 s10, s12;
	s6 =	sadd.s32 s6, s30  }
0x10: {  	s7 =	smax.u32 s9, $0x1;
	s9 =	simm.s32 $0x4F80;
	s31 =	sshll.u32 s10, $0x5  }
0x11: {  	v0 =	vimm.f32 $1.000000000e+00;
	v1 =	vimm.f32 $0.0e+00;
	s12 =	simm.s32 $0x80;
	s10 =	simm.s32 $0x3;
	s8 =	sadd.s32 s31, s8  }
.LBB2_1:
0x12: {  	p0 =	sne.s32 s4, $0x1  }
.Ltmp0:
0x13: {  	_ = 	snop;
	(pc) =	sbr.rel @!p0 .LBB2_3-.Ltmp0, $3  }
0x14: {  	_ =	sdelay $0x1  }
0x15: {  	[tilespmem:s3], [sflag:$0x1] =	stream.linear.gather [hbm4b:s8+s3], $0x100, $0x38;
	[tilespmem:$0x5480] =	vst v63  }
0x16: {  	s19 =	sadd.s32 $0xFFFFFFFF, s4;
	s20 =	simm.s32 $0x0;
	s21 =	smov.u32 s8  }
.LBB2_2:
0x17: {  	p1 =	sne.s32 s19, $0x1  }
.Ltmp1:
0x18: {  	_ = 	snop;
	(pc) =	sbr.rel @p1 .LBB2_2-.Ltmp1, $4  }
0x19: {  	_ = 	snop  }
0x1a: {  	s20 =	sadd.s32 $0x100, s20;
	s21 =	sadd.s32 $0x20, s21  }
0x1b: {  	s19 =	sadd.s32 $0xFFFFFFFF, s19  }
0x1c: {  	[tilespmem:s20], [sflag:$0x1] =	stream.linear.gather [hbm4b:s21+s3], $0x100, $0x38;
	[tilespmem:$0x5480] =	vst v63  }
.LBB2_3:
0x1d: {  	[tilespmem:$0x4F00] =	vst v0  }
0x1e: {  	[tilespmem:$0x4F10] =	vst v0  }
0x1f: {  	[tilespmem:$0x4F20] =	vst v0  }
0x20: {  	[tilespmem:$0x4F30] =	vst v0  }
0x21: {  	[tilespmem:$0x4F40] =	vst v0  }
0x22: {  	[tilespmem:$0x4F50] =	vst v0  }
0x23: {  	[tilespmem:$0x4F60] =	vst v0  }
0x24: {  	[tilespmem:$0x4F70] =	vst v0  }
0x25: {  	[tilespmem:$0x4F80] =	vst v1  }
0x26: {  	[tilespmem:$0x4F90] =	vst v1  }
0x27: {  	[tilespmem:$0x4FA0] =	vst v1  }
0x28: {  	[tilespmem:$0x4FB0] =	vst v1  }
0x29: {  	[tilespmem:$0x4FC0] =	vst v1  }
0x2a: {  	[tilespmem:$0x4FD0] =	vst v1  }
0x2b: {  	[tilespmem:$0x4FE0] =	vst v1  }
0x2c: {  	[tilespmem:$0x4FF0] =	vst v1  }
0x2d: {  	[tilespmem:$0x5000] =	vst v1  }
0x2e: {  	[tilespmem:$0x5010] =	vst v1  }
0x2f: {  	[tilespmem:$0x5020] =	vst v1  }
0x30: {  	[tilespmem:$0x5030] =	vst v1  }
0x31: {  	[tilespmem:$0x5040] =	vst v1  }
0x32: {  	[tilespmem:$0x5050] =	vst v1  }
0x33: {  	[tilespmem:$0x5060] =	vst v1  }
0x34: {  	[tilespmem:$0x5070] =	vst v1  }
0x35: {  	[tilespmem:$0x5080] =	vst v1  }
0x36: {  	[tilespmem:$0x5090] =	vst v1  }
0x37: {  	[tilespmem:$0x50A0] =	vst v1  }
0x38: {  	[tilespmem:$0x50B0] =	vst v1  }
0x39: {  	[tilespmem:$0x50C0] =	vst v1  }
0x3a: {  	[tilespmem:$0x50D0] =	vst v1  }
0x3b: {  	[tilespmem:$0x50E0] =	vst v1  }
0x3c: {  	[tilespmem:$0x50F0] =	vst v1  }
0x3d: {  	[tilespmem:$0x5100] =	vst v1  }
0x3e: {  	[tilespmem:$0x5110] =	vst v1  }
0x3f: {  	[tilespmem:$0x5120] =	vst v1  }
0x40: {  	[tilespmem:$0x5130] =	vst v1  }
0x41: {  	[tilespmem:$0x5140] =	vst v1  }
0x42: {  	[tilespmem:$0x5150] =	vst v1  }
0x43: {  	[tilespmem:$0x5160] =	vst v1  }
0x44: {  	[tilespmem:$0x5170] =	vst v1  }
0x45: {  	[tilespmem:$0x5180] =	vst v1  }
0x46: {  	[tilespmem:$0x5190] =	vst v1  }
0x47: {  	[tilespmem:$0x51A0] =	vst v1  }
0x48: {  	[tilespmem:$0x51B0] =	vst v1  }
0x49: {  	[tilespmem:$0x51C0] =	vst v1  }
0x4a: {  	[tilespmem:$0x51D0] =	vst v1  }
0x4b: {  	[tilespmem:$0x51E0] =	vst v1  }
0x4c: {  	[tilespmem:$0x51F0] =	vst v1  }
0x4d: {  	[spmem:s5] =	stream.linear.scatter [tilespmem:s9], [sflag:$0x3], $0x280, $0x38;
	[tilespmem:$0x5480] =	vst v63  }
0x4e: {  	_ =	swait.ge [sflag:s10], $0x280  }
0x4f: {  	[sflag:s10] =	ssyncset.done $0x0  }
0x50: {  	[sflag:s10] =	ssyncadd.s32 $0xFFFFFD80  }
.Ltmp2:
0x51: {  	[bflag:$0x0] =	sbarrier.arrive $0xFFFF;
	(pc) =	sbr.rel @!p0 .LBB2_5-.Ltmp2, $4  }
0x52: {  	_ =	swait.ge [sflag:s11], $0x100  }
0x53: {  	[sflag:s11] =	ssyncset.done $0x0  }
0x54: {  	s19 =	simm.s32 $0x80;
	s20 =	sadd.s32 $0xFFFFFFFF, s4;
	[sflag:s11] =	ssyncadd.s32 $0xFFFFFF00  }
0x55: {  	[spmem:s1] =	stream.indirect.scatter.add.f32 [tilespmem:s13], [sflag:$0x2], $0x1, s19, s12, $0xb8;
	[tilespmem:$0x5480] =	vst v63  }
.LBB2_4:
0x56: {  	_ =	swait.ge [sflag:s11], $0x100;
	p1 =	sne.s32 s20, $0x1  }
.Ltmp3:
0x57: {  	(pc) =	sbr.rel @p1 .LBB2_4-.Ltmp3, $4  }
0x58: {  	_ = 	snop  }
0x59: {  	s19 =	sadd.s32 $0x100, s19;
	[sflag:s11] =	ssyncset.done $0x0  }
0x5a: {  	s20 =	sadd.s32 $0xFFFFFFFF, s20;
	[sflag:s11] =	ssyncadd.s32 $0xFFFFFF00  }
0x5b: {  	[spmem:s1] =	stream.indirect.scatter.add.f32 [tilespmem:s13], [sflag:$0x2], $0x1, s19, s12, $0xb8;
	[tilespmem:$0x5480] =	vst v63  }
.LBB2_5:
.Ltmp4:
0x5c: {  	(pc) =	sbr.rel @!p0 .LBB2_7-.Ltmp4, $3  }
0x5d: {  	_ =	sdelay $0x1  }
0x5e: {  	_ =	swait.ge [sflag:s14], $0x80  }
0x5f: {  	s19 =	sadd.s32 $0xFFFFFFFF, s4;
	[sflag:s14] =	ssyncset.done $0x0  }
.LBB2_6:
0x60: {  	p0 =	sne.s32 s19, $0x1;
	s19 =	sadd.s32 $0xFFFFFFFF, s19;
	[sflag:s14] =	ssyncadd.s32 $0xFFFFFF80  }
.Ltmp5:
0x61: {  	(pc) =	sbr.rel @p0 .LBB2_6-.Ltmp5, $3  }
0x62: {  	_ =	sdelay $0x1  }
0x63: {  	_ =	swait.ge [sflag:s14], $0x80  }
0x64: {  	[sflag:s14] =	ssyncset.done $0x0  }
.LBB2_7:
0x65: {  	s18 =	sadd.s32 $0x1, s18  }
0x66: {  	[sflag:s14] =	ssyncadd.s32 $0xFFFFFF80;
	p0 =	sne.s32 s18, s7  }
.Ltmp6:
0x67: {  	s19 =	sshrl.u32 s5, $0x3;
	[bflag:$0x0] =	sbarrier.arrive $0xFFFF;
	(pc) =	sbr.rel @p0 .LBB2_1-.Ltmp6, $4  }
0x68: {  	[hbm:s6@s16], [sflag:s15] =	dma.strided [spmem:s19@s17], $0x50, s11, $0x10   }
0x69: {  	_ =	swait.ge [sflag:s10], $0x50  }
0x6a: {  	[sflag:s10] =	ssyncset.done $0x0  }
0x6b: {  	[sflag:s10] =	ssyncadd.s32 $0xFFFFFFB0  }
0x6c: {  	_ =	sfence.sel $0x180000  }
0x6d: {  	[bflag:$0x0] =	sbarrier.arrive $0xFFFF  }
0x6e: {  	p0 =	sne.s32 s2, $0x0;
	_ =	strace $0x90000047  }
0x6f: {  	s0 =	sadd.s32 @!p0 $0x100000, s0;
	[bflag:$0x2] =	sbarrier.arrive $0xFFFF  }
0x70: {  	[sflag:s0] =	ssyncadd.tile.s32 @!p0 $0x1;
	_ =	shalt  }
.Lfunc_end2:
_tile_overlayer_lowered:
.L_overlay_start_2:
0x71: {  	(tag) =	ssettag $0x2  }
0x72: {  	s0 =	rddreg [dreg:$0x0];
	s2 =	stileid.u32  }
0x73: {  	s1 =	rddreg [dreg:$0x1];
	p0 =	sne.s32 s2, $0x0  }
0x74: {  	s3 =	rddreg [dreg:$0x2];
	[bflag:$0x3] =	sbarrier.arrive $0xFFFF;
	s2 =	simm.s32 @!p0 $0x1C03  }
0x75: {  	[timem:s3], [sflag:s2] =	dma.local @!p0 [hbm:s0], s1  }
0x76: {  	s0 =	simm.s32 @!p0 $0x3  }
0x77: {  	_ =	swait.ge @!p0 [sflag:s0], s1  }
0x78: {  	s1 =	ssub.s32 @!p0 $0x0, s1;
	[sflag:s0] =	ssyncset.done @!p0 $0x0  }
0x79: {  	[sflag:s0] =	ssyncadd.s32 @!p0 s1  }
0x7a: {  	[bflag:$0x3] =	sbarrier.arrive $0xFFFF  }
0x7b: {  	_ =	shalt  }

</sc_bundles>
